<compile_context>
chip_gen: v7x
topology: tpu7x:2x2x1
jax: 0.10.2.dev20260603
libtpu: 0.0.44.dev20260713+nightly
codegen_flags: <defaults>
</compile_context>

<pallas_src>
import functools

import jax
import jax.numpy as jnp
from jax import lax
from jax.experimental import pallas as pl
from jax.experimental.pallas import tpu as pltpu
from jax.experimental.pallas import tpu_sc as plsc

N_ENT = 100000
N_DIM = 64
N_RESULT = 16
BATCH = 16384

NC = 2
NS = 16
NW = NC * NS
C_PER_W = N_DIM // NW
OUT_CHUNK = 8192


def _gather_one_row(idx_v, row_v, out_v):
    def body(i, _):
        idx16 = idx_v[pl.ds(i * 16, 16)]
        out_v[pl.ds(i * 16, 16)] = plsc.load_gather(row_v, [idx16])
        return ()

    lax.fori_loop(0, OUT_CHUNK // 16, body, (), unroll=8)


def _sc_body(btabT_hbm, ptabT_hbm, bidx_hbm, pidx_hbm,
             beT_hbm, peT_hbm,
             idx_v, row_v, out_v):
    wid = lax.axis_index("s") * NC + lax.axis_index("c")
    for tab_hbm, idx_hbm, out_hbm in (
        (btabT_hbm, bidx_hbm, beT_hbm),
        (ptabT_hbm, pidx_hbm, peT_hbm),
    ):
        for k in range(C_PER_W):
            c = wid * C_PER_W + k
            pltpu.sync_copy(tab_hbm.at[c], row_v)
            for j in range(BATCH // OUT_CHUNK):
                pltpu.sync_copy(idx_hbm.at[pl.ds(j * OUT_CHUNK, OUT_CHUNK)],
                                idx_v)
                _gather_one_row(idx_v, row_v, out_v)
                pltpu.sync_copy(out_v,
                                out_hbm.at[c, pl.ds(j * OUT_CHUNK, OUT_CHUNK)])


@jax.jit
def _sc_gather_t(btabT, ptabT, bidx, pidx):
    mesh = plsc.VectorSubcoreMesh(
        core_axis_name="c", subcore_axis_name="s",
        num_cores=NC, num_subcores=NS)
    return pl.kernel(
        _sc_body,
        out_type=(
            jax.ShapeDtypeStruct((N_DIM, BATCH), jnp.float32),
            jax.ShapeDtypeStruct((N_DIM, BATCH), jnp.float32),
        ),
        mesh=mesh,
        scratch_types=[
            pltpu.VMEM((OUT_CHUNK,), jnp.int32),
            pltpu.VMEM((N_ENT,), jnp.float32),
            pltpu.VMEM((OUT_CHUNK,), jnp.float32),
        ],
        compiler_params=pltpu.CompilerParams(
            use_tc_tiling_on_sc=True, needs_layout_passes=False),
    )(btabT, ptabT, bidx, pidx)


def _mm_body(w1_ref, w2_ref, b_ref, beT_ref, peT_ref, out_ref):
    acc = jnp.dot(w1_ref[...], beT_ref[...], preferred_element_type=jnp.float32)
    acc += jnp.dot(w2_ref[...], peT_ref[...], preferred_element_type=jnp.float32)
    out_ref[...] = acc + b_ref[...]


MM_BLOCK = 4096


@jax.jit
def _tc_linear_t(w1, w2, b2d, beT, peT):
    grid = (BATCH // MM_BLOCK,)
    return pl.pallas_call(
        _mm_body,
        grid=grid,
        in_specs=[
            pl.BlockSpec((N_RESULT, N_DIM), lambda i: (0, 0)),
            pl.BlockSpec((N_RESULT, N_DIM), lambda i: (0, 0)),
            pl.BlockSpec((N_RESULT, 1), lambda i: (0, 0)),
            pl.BlockSpec((N_DIM, MM_BLOCK), lambda i: (0, i)),
            pl.BlockSpec((N_DIM, MM_BLOCK), lambda i: (0, i)),
        ],
        out_specs=pl.BlockSpec((N_RESULT, MM_BLOCK), lambda i: (0, i)),
        out_shape=jax.ShapeDtypeStruct((N_RESULT, BATCH), jnp.float32),
    )(w1, w2, b2d, beT, peT)


def kernel(x, batter_table, pitcher_table, W, b):
    bidx = x[:, 0]
    pidx = x[:, 1]
    beT, peT = _sc_gather_t(batter_table.T, pitcher_table.T, bidx, pidx)
    w1 = W[:, :N_DIM]
    w2 = W[:, N_DIM:]
    yT = _tc_linear_t(w1, w2, b.reshape(N_RESULT, 1), beT, peT)
    return yT.T, beT.T, peT.T

# --- scband reference (transcript-rebuilt; emitter-appended) ---
"""Pipeline reference for scband-batter-pitcher-2-vec-34291018891359 (READ-ONLY COPY).

The authoritative reference and input builder live on the scoring server;
editing this copy changes nothing except your own understanding.
"""

import jax, jax.numpy as jnp
import numpy as np

N_BATTER = 100000
N_PITCHER = 100000
N_DIM = 64
N_RESULT = 16
BATCH = 16384

def setup_inputs(seed: int = 0) -> dict:
    key = jax.random.key(seed)
    k1, k2, k3, k4, k5 = jax.random.split(key, 5)
    x = jax.random.randint(k1, (BATCH, 2), 0, N_BATTER, dtype=jnp.int64) if jax.config.jax_enable_x64 else jax.random.randint(k1, (BATCH, 2), 0, N_BATTER).astype(jnp.int32)
    batter_table = jax.random.normal(k2, (N_BATTER, N_DIM), dtype=jnp.float32)
    pitcher_table = jax.random.normal(k3, (N_PITCHER, N_DIM), dtype=jnp.float32)
    # nn.Linear(2*n_dim, n_result): weight [n_result, 2*n_dim], bias [n_result]
    bound = 1.0 / np.sqrt(2 * N_DIM)
    W = jax.random.uniform(k4, (N_RESULT, 2 * N_DIM), dtype=jnp.float32, minval=-bound, maxval=bound)
    b = jax.random.uniform(k5, (N_RESULT,), dtype=jnp.float32, minval=-bound, maxval=bound)
    return {"x": x, "batter_table": batter_table, "pitcher_table": pitcher_table, "W": W, "b": b}

def reference(x, batter_table, pitcher_table, W, b):
    batter_idx = x[:, 0]
    pitcher_idx = x[:, 1]
    batter_emb = jnp.take(batter_table, batter_idx, axis=0)
    pitcher_emb = jnp.take(pitcher_table, pitcher_idx, axis=0)
    merge_emb = jnp.concatenate([batter_emb, pitcher_emb], axis=1)
    y_pred = merge_emb @ W.T + b
    return (y_pred, batter_emb, pitcher_emb)

if __name__ == "__main__":
    import jax
    _d = setup_inputs()
    print(jax.jit(kernel)(*tuple(_d.values())))

</pallas_src>

<mosaic_0001>
#map = affine_map<(d0, d1) -> (0, 0)>
#map1 = affine_map<(d0, d1) -> (0)>
module attributes {stable_mosaic.version = 14 : i64} {
  func.func @_sc_body(%arg0: i32, %arg1: i32, %arg2: memref<64x100000xf32, #tpu.memory_space<hbm>>, %arg3: memref<64x100000xf32, #tpu.memory_space<hbm>>, %arg4: memref<16384xi32, #tpu.memory_space<hbm>>, %arg5: memref<16384xi32, #tpu.memory_space<hbm>>, %arg6: memref<64x16384xf32, #tpu.memory_space<hbm>>, %arg7: memref<64x16384xf32, #tpu.memory_space<hbm>>, %arg8: memref<8192xi32, #tpu.memory_space<vmem>>, %arg9: memref<100000xf32, #tpu.memory_space<vmem>>, %arg10: memref<8192xf32, #tpu.memory_space<vmem>>) attributes {dimension_semantics = [#tpu.dimension_semantics<core_parallel>, #tpu.dimension_semantics<subcore_parallel>], iteration_bounds = array<i64: 2, 16>, scalar_prefetch = 0 : i64, scratch_operands = 3 : i64, tpu.core_type = #tpu.core_type<sc_vector_subcore>, window_params = [{transform_indices = #map}, {transform_indices = #map}, {transform_indices = #map1}, {transform_indices = #map1}, {transform_indices = #map}, {transform_indices = #map}]} {
    %mul3A = arith.constant 2 : i32
    %mul3A_0 = arith.muli %arg1, %mul3A : i32
    %add3A = arith.addi %mul3A_0, %arg0 : i32
    %mul3A_1 = arith.constant 2 : i32
    %mul3A_2 = arith.muli %add3A, %mul3A_1 : i32
    %add3A_3 = arith.constant 0 : i32
    %add3A_4 = arith.addi %mul3A_2, %add3A_3 : i32
    "tpu.region"() ({
      %run_scoped3A = tpu.sem_alloc : memref<!tpu.dma_semaphore, #tpu.memory_space<semaphore_mem>>
      %dma_start3A = arith.constant 0 : i32
      %dma_start3A_56 = tpu.memref_slice %arg2[%add3A_4, %dma_start3A] : memref<64x100000xf32, #tpu.memory_space<hbm>> -> memref<1x100000xf32, #tpu.memory_space<hbm>>
      %dma_start3A_57 = tpu.memref_squeeze %dma_start3A_56 : memref<1x100000xf32, #tpu.memory_space<hbm>> -> memref<100000xf32, #tpu.memory_space<hbm>>
      %dma_start3A_58 = arith.constant 0 : i32
      %dma_start3A_59 = tpu.memref_slice %arg2[%add3A_4, %dma_start3A_58] : memref<64x100000xf32, #tpu.memory_space<hbm>> -> memref<1x100000xf32, #tpu.memory_space<hbm>>
      %dma_start3A_60 = tpu.memref_squeeze %dma_start3A_59 : memref<1x100000xf32, #tpu.memory_space<hbm>> -> memref<100000xf32, #tpu.memory_space<hbm>>
      tpu.enqueue_dma source(%dma_start3A_60 : memref<100000xf32, #tpu.memory_space<hbm>>) target(%arg9 : memref<100000xf32, #tpu.memory_space<vmem>>) target_semaphore(%run_scoped3A : memref<!tpu.dma_semaphore, #tpu.memory_space<semaphore_mem>>)
      %dma_wait3A = arith.constant 0 : i32
      %dma_wait3A_61 = tpu.memref_slice %arg2[%add3A_4, %dma_wait3A] : memref<64x100000xf32, #tpu.memory_space<hbm>> -> memref<1x100000xf32, #tpu.memory_space<hbm>>
      %dma_wait3A_62 = tpu.memref_squeeze %dma_wait3A_61 : memref<1x100000xf32, #tpu.memory_space<hbm>> -> memref<100000xf32, #tpu.memory_space<hbm>>
      %dma_wait3A_63 = arith.constant 0 : i32
      %dma_wait3A_64 = tpu.memref_slice %arg2[%add3A_4, %dma_wait3A_63] : memref<64x100000xf32, #tpu.memory_space<hbm>> -> memref<1x100000xf32, #tpu.memory_space<hbm>>
      %dma_wait3A_65 = tpu.memref_squeeze %dma_wait3A_64 : memref<1x100000xf32, #tpu.memory_space<hbm>> -> memref<100000xf32, #tpu.memory_space<hbm>>
      tpu.wait_dma2 semaphore(%run_scoped3A : memref<!tpu.dma_semaphore, #tpu.memory_space<semaphore_mem>>) src(%dma_wait3A_65 : memref<100000xf32, #tpu.memory_space<hbm>>) dst(%arg9 : memref<100000xf32, #tpu.memory_space<vmem>>)
      tpu.yield
    }) : () -> ()
    "tpu.region"() ({
      %run_scoped3A = tpu.sem_alloc : memref<!tpu.dma_semaphore, #tpu.memory_space<semaphore_mem>>
      %dma_start3A = arith.constant 0 : i32
      %dma_start3A_56 = tpu.memref_slice %arg4[%dma_start3A] : memref<16384xi32, #tpu.memory_space<hbm>> -> memref<8192xi32, #tpu.memory_space<hbm>>
      %dma_start3A_57 = arith.constant 0 : i32
      %dma_start3A_58 = tpu.memref_slice %arg4[%dma_start3A_57] : memref<16384xi32, #tpu.memory_space<hbm>> -> memref<8192xi32, #tpu.memory_space<hbm>>
      tpu.enqueue_dma source(%dma_start3A_58 : memref<8192xi32, #tpu.memory_space<hbm>>) target(%arg8 : memref<8192xi32, #tpu.memory_space<vmem>>) target_semaphore(%run_scoped3A : memref<!tpu.dma_semaphore, #tpu.memory_space<semaphore_mem>>)
      %dma_wait3A = arith.constant 0 : i32
      %dma_wait3A_59 = tpu.memref_slice %arg4[%dma_wait3A] : memref<16384xi32, #tpu.memory_space<hbm>> -> memref<8192xi32, #tpu.memory_space<hbm>>
      %dma_wait3A_60 = arith.constant 0 : i32
      %dma_wait3A_61 = tpu.memref_slice %arg4[%dma_wait3A_60] : memref<16384xi32, #tpu.memory_space<hbm>> -> memref<8192xi32, #tpu.memory_space<hbm>>
      tpu.wait_dma2 semaphore(%run_scoped3A : memref<!tpu.dma_semaphore, #tpu.memory_space<semaphore_mem>>) src(%dma_wait3A_61 : memref<8192xi32, #tpu.memory_space<hbm>>) dst(%arg8 : memref<8192xi32, #tpu.memory_space<vmem>>)
      tpu.yield
    }) : () -> ()
    %scan3A = arith.constant 0 : i32
    %scan3A_5 = arith.constant 512 : i32
    %scan3A_6 = arith.addi %scan3A, %scan3A_5 : i32
    %scan3A_7 = arith.constant 8 : i32
    scf.for %scan3A_56 = %scan3A to %scan3A_6 step %scan3A_7  : i32 {
      %mul3A_57 = arith.constant 16 : i32
      %mul3A_58 = arith.muli %scan3A_56, %mul3A_57 : i32
      %get3A = arith.index_cast %mul3A_58 : i32 to index
      %get3A_59 = tpu.vector_load %arg8[%get3A] {strides = array<i32>} : memref<8192xi32, #tpu.memory_space<vmem>>, vector<16xi32>,
      %gather3A = tpu.vector_load_idx %arg9[%get3A_59] : memref<100000xf32, #tpu.memory_space<vmem>>[vector<16xi32>], vector<16xf32>,
      %mul3A_60 = arith.constant 16 : i32
      %mul3A_61 = arith.muli %scan3A_56, %mul3A_60 : i32
      %swap3A = arith.index_cast %mul3A_61 : i32 to index
      %swap3A_62 = tpu.vector_load %arg10[%swap3A] {strides = array<i32>} : memref<8192xf32, #tpu.memory_space<vmem>>, vector<16xf32>,
      tpu.vector_store %arg10[%swap3A], %gather3A {strides = array<i32>} : memref<8192xf32, #tpu.memory_space<vmem>>, vector<16xf32>,
      %scan3A_63 = arith.constant 1 : i32
      %scan3A_64 = arith.addi %scan3A_56, %scan3A_63 : i32
      %mul3A_65 = arith.constant 16 : i32
      %mul3A_66 = arith.muli %scan3A_64, %mul3A_65 : i32
      %get3A_67 = arith.index_cast %mul3A_66 : i32 to index
      %get3A_68 = tpu.vector_load %arg8[%get3A_67] {strides = array<i32>} : memref<8192xi32, #tpu.memory_space<vmem>>, vector<16xi32>,
      %gather3A_69 = tpu.vector_load_idx %arg9[%get3A_68] : memref<100000xf32, #tpu.memory_space<vmem>>[vector<16xi32>], vector<16xf32>,
      %mul3A_70 = arith.constant 16 : i32
      %mul3A_71 = arith.muli %scan3A_64, %mul3A_70 : i32
      %swap3A_72 = arith.index_cast %mul3A_71 : i32 to index
      %swap3A_73 = tpu.vector_load %arg10[%swap3A_72] {strides = array<i32>} : memref<8192xf32, #tpu.memory_space<vmem>>, vector<16xf32>,
      tpu.vector_store %arg10[%swap3A_72], %gather3A_69 {strides = array<i32>} : memref<8192xf32, #tpu.memory_space<vmem>>, vector<16xf32>,
      %scan3A_74 = arith.constant 2 : i32
      %scan3A_75 = arith.addi %scan3A_56, %scan3A_74 : i32
      %mul3A_76 = arith.constant 16 : i32
      %mul3A_77 = arith.muli %scan3A_75, %mul3A_76 : i32
      %get3A_78 = arith.index_cast %mul3A_77 : i32 to index
      %get3A_79 = tpu.vector_load %arg8[%get3A_78] {strides = array<i32>} : memref<8192xi32, #tpu.memory_space<vmem>>, vector<16xi32>,
      %gather3A_80 = tpu.vector_load_idx %arg9[%get3A_79] : memref<100000xf32, #tpu.memory_space<vmem>>[vector<16xi32>], vector<16xf32>,
      %mul3A_81 = arith.constant 16 : i32
      %mul3A_82 = arith.muli %scan3A_75, %mul3A_81 : i32
      %swap3A_83 = arith.index_cast %mul3A_82 : i32 to index
      %swap3A_84 = tpu.vector_load %arg10[%swap3A_83] {strides = array<i32>} : memref<8192xf32, #tpu.memory_space<vmem>>, vector<16xf32>,
      tpu.vector_store %arg10[%swap3A_83], %gather3A_80 {strides = array<i32>} : memref<8192xf32, #tpu.memory_space<vmem>>, vector<16xf32>,
      %scan3A_85 = arith.constant 3 : i32
      %scan3A_86 = arith.addi %scan3A_56, %scan3A_85 : i32
      %mul3A_87 = arith.constant 16 : i32
      %mul3A_88 = arith.muli %scan3A_86, %mul3A_87 : i32
      %get3A_89 = arith.index_cast %mul3A_88 : i32 to index
      %get3A_90 = tpu.vector_load %arg8[%get3A_89] {strides = array<i32>} : memref<8192xi32, #tpu.memory_space<vmem>>, vector<16xi32>,
      %gather3A_91 = tpu.vector_load_idx %arg9[%get3A_90] : memref<100000xf32, #tpu.memory_space<vmem>>[vector<16xi32>], vector<16xf32>,
      %mul3A_92 = arith.constant 16 : i32
      %mul3A_93 = arith.muli %scan3A_86, %mul3A_92 : i32
      %swap3A_94 = arith.index_cast %mul3A_93 : i32 to index
      %swap3A_95 = tpu.vector_load %arg10[%swap3A_94] {strides = array<i32>} : memref<8192xf32, #tpu.memory_space<vmem>>, vector<16xf32>,
      tpu.vector_store %arg10[%swap3A_94], %gather3A_91 {strides = array<i32>} : memref<8192xf32, #tpu.memory_space<vmem>>, vector<16xf32>,
      %scan3A_96 = arith.constant 4 : i32
      %scan3A_97 = arith.addi %scan3A_56, %scan3A_96 : i32
      %mul3A_98 = arith.constant 16 : i32
      %mul3A_99 = arith.muli %scan3A_97, %mul3A_98 : i32
      %get3A_100 = arith.index_cast %mul3A_99 : i32 to index
      %get3A_101 = tpu.vector_load %arg8[%get3A_100] {strides = array<i32>} : memref<8192xi32, #tpu.memory_space<vmem>>, vector<16xi32>,
      %gather3A_102 = tpu.vector_load_idx %arg9[%get3A_101] : memref<100000xf32, #tpu.memory_space<vmem>>[vector<16xi32>], vector<16xf32>,
      %mul3A_103 = arith.constant 16 : i32
      %mul3A_104 = arith.muli %scan3A_97, %mul3A_103 : i32
      %swap3A_105 = arith.index_cast %mul3A_104 : i32 to index
      %swap3A_106 = tpu.vector_load %arg10[%swap3A_105] {strides = array<i32>} : memref<8192xf32, #tpu.memory_space<vmem>>, vector<16xf32>,
      tpu.vector_store %arg10[%swap3A_105], %gather3A_102 {strides = array<i32>} : memref<8192xf32, #tpu.memory_space<vmem>>, vector<16xf32>,
      %scan3A_107 = arith.constant 5 : i32
      %scan3A_108 = arith.addi %scan3A_56, %scan3A_107 : i32
      %mul3A_109 = arith.constant 16 : i32
      %mul3A_110 = arith.muli %scan3A_108, %mul3A_109 : i32
      %get3A_111 = arith.index_cast %mul3A_110 : i32 to index
      %get3A_112 = tpu.vector_load %arg8[%get3A_111] {strides = array<i32>} : memref<8192xi32, #tpu.memory_space<vmem>>, vector<16xi32>,
      %gather3A_113 = tpu.vector_load_idx %arg9[%get3A_112] : memref<100000xf32, #tpu.memory_space<vmem>>[vector<16xi32>], vector<16xf32>,
      %mul3A_114 = arith.constant 16 : i32
      %mul3A_115 = arith.muli %scan3A_108, %mul3A_114 : i32
      %swap3A_116 = arith.index_cast %mul3A_115 : i32 to index
      %swap3A_117 = tpu.vector_load %arg10[%swap3A_116] {strides = array<i32>} : memref<8192xf32, #tpu.memory_space<vmem>>, vector<16xf32>,
      tpu.vector_store %arg10[%swap3A_116], %gather3A_113 {strides = array<i32>} : memref<8192xf32, #tpu.memory_space<vmem>>, vector<16xf32>,
      %scan3A_118 = arith.constant 6 : i32
      %scan3A_119 = arith.addi %scan3A_56, %scan3A_118 : i32
      %mul3A_120 = arith.constant 16 : i32
      %mul3A_121 = arith.muli %scan3A_119, %mul3A_120 : i32
      %get3A_122 = arith.index_cast %mul3A_121 : i32 to index
      %get3A_123 = tpu.vector_load %arg8[%get3A_122] {strides = array<i32>} : memref<8192xi32, #tpu.memory_space<vmem>>, vector<16xi32>,
      %gather3A_124 = tpu.vector_load_idx %arg9[%get3A_123] : memref<100000xf32, #tpu.memory_space<vmem>>[vector<16xi32>], vector<16xf32>,
      %mul3A_125 = arith.constant 16 : i32
      %mul3A_126 = arith.muli %scan3A_119, %mul3A_125 : i32
      %swap3A_127 = arith.index_cast %mul3A_126 : i32 to index
      %swap3A_128 = tpu.vector_load %arg10[%swap3A_127] {strides = array<i32>} : memref<8192xf32, #tpu.memory_space<vmem>>, vector<16xf32>,
      tpu.vector_store %arg10[%swap3A_127], %gather3A_124 {strides = array<i32>} : memref<8192xf32, #tpu.memory_space<vmem>>, vector<16xf32>,
      %scan3A_129 = arith.constant 7 : i32
      %scan3A_130 = arith.addi %scan3A_56, %scan3A_129 : i32
      %mul3A_131 = arith.constant 16 : i32
      %mul3A_132 = arith.muli %scan3A_130, %mul3A_131 : i32
      %get3A_133 = arith.index_cast %mul3A_132 : i32 to index
      %get3A_134 = tpu.vector_load %arg8[%get3A_133] {strides = array<i32>} : memref<8192xi32, #tpu.memory_space<vmem>>, vector<16xi32>,
      %gather3A_135 = tpu.vector_load_idx %arg9[%get3A_134] : memref<100000xf32, #tpu.memory_space<vmem>>[vector<16xi32>], vector<16xf32>,
      %mul3A_136 = arith.constant 16 : i32
      %mul3A_137 = arith.muli %scan3A_130, %mul3A_136 : i32
      %swap3A_138 = arith.index_cast %mul3A_137 : i32 to index
      %swap3A_139 = tpu.vector_load %arg10[%swap3A_138] {strides = array<i32>} : memref<8192xf32, #tpu.memory_space<vmem>>, vector<16xf32>,
      tpu.vector_store %arg10[%swap3A_138], %gather3A_135 {strides = array<i32>} : memref<8192xf32, #tpu.memory_space<vmem>>, vector<16xf32>,
    }
    %scan3A_8 = arith.constant 512 : i32
    "tpu.region"() ({
      %run_scoped3A = tpu.sem_alloc : memref<!tpu.dma_semaphore, #tpu.memory_space<semaphore_mem>>
      %dma_start3A = arith.constant 0 : i32
      %dma_start3A_56 = tpu.memref_slice %arg6[%add3A_4, %dma_start3A] : memref<64x16384xf32, #tpu.memory_space<hbm>> -> memref<1x8192xf32, #tpu.memory_space<hbm>>
      %dma_start3A_57 = tpu.memref_squeeze %dma_start3A_56 : memref<1x8192xf32, #tpu.memory_space<hbm>> -> memref<8192xf32, #tpu.memory_space<hbm>>
      %dma_start3A_58 = arith.constant 0 : i32
      %dma_start3A_59 = tpu.memref_slice %arg6[%add3A_4, %dma_start3A_58] : memref<64x16384xf32, #tpu.memory_space<hbm>> -> memref<1x8192xf32, #tpu.memory_space<hbm>>
      %dma_start3A_60 = tpu.memref_squeeze %dma_start3A_59 : memref<1x8192xf32, #tpu.memory_space<hbm>> -> memref<8192xf32, #tpu.memory_space<hbm>>
      tpu.enqueue_dma source(%arg10 : memref<8192xf32, #tpu.memory_space<vmem>>) target(%dma_start3A_60 : memref<8192xf32, #tpu.memory_space<hbm>>) target_semaphore(%run_scoped3A : memref<!tpu.dma_semaphore, #tpu.memory_space<semaphore_mem>>)
      %dma_wait3A = arith.constant 0 : i32
      %dma_wait3A_61 = tpu.memref_slice %arg6[%add3A_4, %dma_wait3A] : memref<64x16384xf32, #tpu.memory_space<hbm>> -> memref<1x8192xf32, #tpu.memory_space<hbm>>
      %dma_wait3A_62 = tpu.memref_squeeze %dma_wait3A_61 : memref<1x8192xf32, #tpu.memory_space<hbm>> -> memref<8192xf32, #tpu.memory_space<hbm>>
      %dma_wait3A_63 = arith.constant 0 : i32
      %dma_wait3A_64 = tpu.memref_slice %arg6[%add3A_4, %dma_wait3A_63] : memref<64x16384xf32, #tpu.memory_space<hbm>> -> memref<1x8192xf32, #tpu.memory_space<hbm>>
      %dma_wait3A_65 = tpu.memref_squeeze %dma_wait3A_64 : memref<1x8192xf32, #tpu.memory_space<hbm>> -> memref<8192xf32, #tpu.memory_space<hbm>>
      tpu.wait_dma2 semaphore(%run_scoped3A : memref<!tpu.dma_semaphore, #tpu.memory_space<semaphore_mem>>) src(%arg10 : memref<8192xf32, #tpu.memory_space<vmem>>) dst(%dma_wait3A_65 : memref<8192xf32, #tpu.memory_space<hbm>>)
      tpu.yield
    }) : () -> ()
    "tpu.region"() ({
      %run_scoped3A = tpu.sem_alloc : memref<!tpu.dma_semaphore, #tpu.memory_space<semaphore_mem>>
      %dma_start3A = arith.constant 8192 : i32
      %dma_start3A_56 = tpu.memref_slice %arg4[%dma_start3A] : memref<16384xi32, #tpu.memory_space<hbm>> -> memref<8192xi32, #tpu.memory_space<hbm>>
      %dma_start3A_57 = arith.constant 8192 : i32
      %dma_start3A_58 = tpu.memref_slice %arg4[%dma_start3A_57] : memref<16384xi32, #tpu.memory_space<hbm>> -> memref<8192xi32, #tpu.memory_space<hbm>>
      tpu.enqueue_dma source(%dma_start3A_58 : memref<8192xi32, #tpu.memory_space<hbm>>) target(%arg8 : memref<8192xi32, #tpu.memory_space<vmem>>) target_semaphore(%run_scoped3A : memref<!tpu.dma_semaphore, #tpu.memory_space<semaphore_mem>>)
      %dma_wait3A = arith.constant 8192 : i32
      %dma_wait3A_59 = tpu.memref_slice %arg4[%dma_wait3A] : memref<16384xi32, #tpu.memory_space<hbm>> -> memref<8192xi32, #tpu.memory_space<hbm>>
      %dma_wait3A_60 = arith.constant 8192 : i32
      %dma_wait3A_61 = tpu.memref_slice %arg4[%dma_wait3A_60] : memref<16384xi32, #tpu.memory_space<hbm>> -> memref<8192xi32, #tpu.memory_space<hbm>>
      tpu.wait_dma2 semaphore(%run_scoped3A : memref<!tpu.dma_semaphore, #tpu.memory_space<semaphore_mem>>) src(%dma_wait3A_61 : memref<8192xi32, #tpu.memory_space<hbm>>) dst(%arg8 : memref<8192xi32, #tpu.memory_space<vmem>>)
      tpu.yield
    }) : () -> ()
    %scan3A_9 = arith.constant 0 : i32
    %scan3A_10 = arith.constant 512 : i32
    %scan3A_11 = arith.addi %scan3A_9, %scan3A_10 : i32
    %scan3A_12 = arith.constant 8 : i32
    scf.for %scan3A_56 = %scan3A_9 to %scan3A_11 step %scan3A_12  : i32 {
      %mul3A_57 = arith.constant 16 : i32
      %mul3A_58 = arith.muli %scan3A_56, %mul3A_57 : i32
      %get3A = arith.index_cast %mul3A_58 : i32 to index
      %get3A_59 = tpu.vector_load %arg8[%get3A] {strides = array<i32>} : memref<8192xi32, #tpu.memory_space<vmem>>, vector<16xi32>,
      %gather3A = tpu.vector_load_idx %arg9[%get3A_59] : memref<100000xf32, #tpu.memory_space<vmem>>[vector<16xi32>], vector<16xf32>,
      %mul3A_60 = arith.constant 16 : i32
      %mul3A_61 = arith.muli %scan3A_56, %mul3A_60 : i32
      %swap3A = arith.index_cast %mul3A_61 : i32 to index
      %swap3A_62 = tpu.vector_load %arg10[%swap3A] {strides = array<i32>} : memref<8192xf32, #tpu.memory_space<vmem>>, vector<16xf32>,
      tpu.vector_store %arg10[%swap3A], %gather3A {strides = array<i32>} : memref<8192xf32, #tpu.memory_space<vmem>>, vector<16xf32>,
      %scan3A_63 = arith.constant 1 : i32
      %scan3A_64 = arith.addi %scan3A_56, %scan3A_63 : i32
      %mul3A_65 = arith.constant 16 : i32
      %mul3A_66 = arith.muli %scan3A_64, %mul3A_65 : i32
      %get3A_67 = arith.index_cast %mul3A_66 : i32 to index
      %get3A_68 = tpu.vector_load %arg8[%get3A_67] {strides = array<i32>} : memref<8192xi32, #tpu.memory_space<vmem>>, vector<16xi32>,
      %gather3A_69 = tpu.vector_load_idx %arg9[%get3A_68] : memref<100000xf32, #tpu.memory_space<vmem>>[vector<16xi32>], vector<16xf32>,
      %mul3A_70 = arith.constant 16 : i32
      %mul3A_71 = arith.muli %scan3A_64, %mul3A_70 : i32
      %swap3A_72 = arith.index_cast %mul3A_71 : i32 to index
      %swap3A_73 = tpu.vector_load %arg10[%swap3A_72] {strides = array<i32>} : memref<8192xf32, #tpu.memory_space<vmem>>, vector<16xf32>,
      tpu.vector_store %arg10[%swap3A_72], %gather3A_69 {strides = array<i32>} : memref<8192xf32, #tpu.memory_space<vmem>>, vector<16xf32>,
      %scan3A_74 = arith.constant 2 : i32
      %scan3A_75 = arith.addi %scan3A_56, %scan3A_74 : i32
      %mul3A_76 = arith.constant 16 : i32
      %mul3A_77 = arith.muli %scan3A_75, %mul3A_76 : i32
      %get3A_78 = arith.index_cast %mul3A_77 : i32 to index
      %get3A_79 = tpu.vector_load %arg8[%get3A_78] {strides = array<i32>} : memref<8192xi32, #tpu.memory_space<vmem>>, vector<16xi32>,
      %gather3A_80 = tpu.vector_load_idx %arg9[%get3A_79] : memref<100000xf32, #tpu.memory_space<vmem>>[vector<16xi32>], vector<16xf32>,
      %mul3A_81 = arith.constant 16 : i32
      %mul3A_82 = arith.muli %scan3A_75, %mul3A_81 : i32
      %swap3A_83 = arith.index_cast %mul3A_82 : i32 to index
      %swap3A_84 = tpu.vector_load %arg10[%swap3A_83] {strides = array<i32>} : memref<8192xf32, #tpu.memory_space<vmem>>, vector<16xf32>,
      tpu.vector_store %arg10[%swap3A_83], %gather3A_80 {strides = array<i32>} : memref<8192xf32, #tpu.memory_space<vmem>>, vector<16xf32>,
      %scan3A_85 = arith.constant 3 : i32
      %scan3A_86 = arith.addi %scan3A_56, %scan3A_85 : i32
      %mul3A_87 = arith.constant 16 : i32
      %mul3A_88 = arith.muli %scan3A_86, %mul3A_87 : i32
      %get3A_89 = arith.index_cast %mul3A_88 : i32 to index
      %get3A_90 = tpu.vector_load %arg8[%get3A_89] {strides = array<i32>} : memref<8192xi32, #tpu.memory_space<vmem>>, vector<16xi32>,
      %gather3A_91 = tpu.vector_load_idx %arg9[%get3A_90] : memref<100000xf32, #tpu.memory_space<vmem>>[vector<16xi32>], vector<16xf32>,
      %mul3A_92 = arith.constant 16 : i32
      %mul3A_93 = arith.muli %scan3A_86, %mul3A_92 : i32
      %swap3A_94 = arith.index_cast %mul3A_93 : i32 to index
      %swap3A_95 = tpu.vector_load %arg10[%swap3A_94] {strides = array<i32>} : memref<8192xf32, #tpu.memory_space<vmem>>, vector<16xf32>,
      tpu.vector_store %arg10[%swap3A_94], %gather3A_91 {strides = array<i32>} : memref<8192xf32, #tpu.memory_space<vmem>>, vector<16xf32>,
      %scan3A_96 = arith.constant 4 : i32
      %scan3A_97 = arith.addi %scan3A_56, %scan3A_96 : i32
      %mul3A_98 = arith.constant 16 : i32
      %mul3A_99 = arith.muli %scan3A_97, %mul3A_98 : i32
      %get3A_100 = arith.index_cast %mul3A_99 : i32 to index
      %get3A_101 = tpu.vector_load %arg8[%get3A_100] {strides = array<i32>} : memref<8192xi32, #tpu.memory_space<vmem>>, vector<16xi32>,
      %gather3A_102 = tpu.vector_load_idx %arg9[%get3A_101] : memref<100000xf32, #tpu.memory_space<vmem>>[vector<16xi32>], vector<16xf32>,
      %mul3A_103 = arith.constant 16 : i32
      %mul3A_104 = arith.muli %scan3A_97, %mul3A_103 : i32
      %swap3A_105 = arith.index_cast %mul3A_104 : i32 to index
      %swap3A_106 = tpu.vector_load %arg10[%swap3A_105] {strides = array<i32>} : memref<8192xf32, #tpu.memory_space<vmem>>, vector<16xf32>,
      tpu.vector_store %arg10[%swap3A_105], %gather3A_102 {strides = array<i32>} : memref<8192xf32, #tpu.memory_space<vmem>>, vector<16xf32>,
      %scan3A_107 = arith.constant 5 : i32
      %scan3A_108 = arith.addi %scan3A_56, %scan3A_107 : i32
      %mul3A_109 = arith.constant 16 : i32
      %mul3A_110 = arith.muli %scan3A_108, %mul3A_109 : i32
      %get3A_111 = arith.index_cast %mul3A_110 : i32 to index
      %get3A_112 = tpu.vector_load %arg8[%get3A_111] {strides = array<i32>} : memref<8192xi32, #tpu.memory_space<vmem>>, vector<16xi32>,
      %gather3A_113 = tpu.vector_load_idx %arg9[%get3A_112] : memref<100000xf32, #tpu.memory_space<vmem>>[vector<16xi32>], vector<16xf32>,
      %mul3A_114 = arith.constant 16 : i32
      %mul3A_115 = arith.muli %scan3A_108, %mul3A_114 : i32
      %swap3A_116 = arith.index_cast %mul3A_115 : i32 to index
      %swap3A_117 = tpu.vector_load %arg10[%swap3A_116] {strides = array<i32>} : memref<8192xf32, #tpu.memory_space<vmem>>, vector<16xf32>,
      tpu.vector_store %arg10[%swap3A_116], %gather3A_113 {strides = array<i32>} : memref<8192xf32, #tpu.memory_space<vmem>>, vector<16xf32>,
      %scan3A_118 = arith.constant 6 : i32
      %scan3A_119 = arith.addi %scan3A_56, %scan3A_118 : i32
      %mul3A_120 = arith.constant 16 : i32
      %mul3A_121 = arith.muli %scan3A_119, %mul3A_120 : i32
      %get3A_122 = arith.index_cast %mul3A_121 : i32 to index
      %get3A_123 = tpu.vector_load %arg8[%get3A_122] {strides = array<i32>} : memref<8192xi32, #tpu.memory_space<vmem>>, vector<16xi32>,
      %gather3A_124 = tpu.vector_load_idx %arg9[%get3A_123] : memref<100000xf32, #tpu.memory_space<vmem>>[vector<16xi32>], vector<16xf32>,
      %mul3A_125 = arith.constant 16 : i32
      %mul3A_126 = arith.muli %scan3A_119, %mul3A_125 : i32
      %swap3A_127 = arith.index_cast %mul3A_126 : i32 to index
      %swap3A_128 = tpu.vector_load %arg10[%swap3A_127] {strides = array<i32>} : memref<8192xf32, #tpu.memory_space<vmem>>, vector<16xf32>,
      tpu.vector_store %arg10[%swap3A_127], %gather3A_124 {strides = array<i32>} : memref<8192xf32, #tpu.memory_space<vmem>>, vector<16xf32>,
      %scan3A_129 = arith.constant 7 : i32
      %scan3A_130 = arith.addi %scan3A_56, %scan3A_129 : i32
      %mul3A_131 = arith.constant 16 : i32
      %mul3A_132 = arith.muli %scan3A_130, %mul3A_131 : i32
      %get3A_133 = arith.index_cast %mul3A_132 : i32 to index
      %get3A_134 = tpu.vector_load %arg8[%get3A_133] {strides = array<i32>} : memref<8192xi32, #tpu.memory_space<vmem>>, vector<16xi32>,
      %gather3A_135 = tpu.vector_load_idx %arg9[%get3A_134] : memref<100000xf32, #tpu.memory_space<vmem>>[vector<16xi32>], vector<16xf32>,
      %mul3A_136 = arith.constant 16 : i32
      %mul3A_137 = arith.muli %scan3A_130, %mul3A_136 : i32
      %swap3A_138 = arith.index_cast %mul3A_137 : i32 to index
      %swap3A_139 = tpu.vector_load %arg10[%swap3A_138] {strides = array<i32>} : memref<8192xf32, #tpu.memory_space<vmem>>, vector<16xf32>,
      tpu.vector_store %arg10[%swap3A_138], %gather3A_135 {strides = array<i32>} : memref<8192xf32, #tpu.memory_space<vmem>>, vector<16xf32>,
    }
    %scan3A_13 = arith.constant 512 : i32
    "tpu.region"() ({
      %run_scoped3A = tpu.sem_alloc : memref<!tpu.dma_semaphore, #tpu.memory_space<semaphore_mem>>
      %dma_start3A = arith.constant 8192 : i32
      %dma_start3A_56 = tpu.memref_slice %arg6[%add3A_4, %dma_start3A] : memref<64x16384xf32, #tpu.memory_space<hbm>> -> memref<1x8192xf32, #tpu.memory_space<hbm>>
      %dma_start3A_57 = tpu.memref_squeeze %dma_start3A_56 : memref<1x8192xf32, #tpu.memory_space<hbm>> -> memref<8192xf32, #tpu.memory_space<hbm>>
      %dma_start3A_58 = arith.constant 8192 : i32
      %dma_start3A_59 = tpu.memref_slice %arg6[%add3A_4, %dma_start3A_58] : memref<64x16384xf32, #tpu.memory_space<hbm>> -> memref<1x8192xf32, #tpu.memory_space<hbm>>
      %dma_start3A_60 = tpu.memref_squeeze %dma_start3A_59 : memref<1x8192xf32, #tpu.memory_space<hbm>> -> memref<8192xf32, #tpu.memory_space<hbm>>
      tpu.enqueue_dma source(%arg10 : memref<8192xf32, #tpu.memory_space<vmem>>) target(%dma_start3A_60 : memref<8192xf32, #tpu.memory_space<hbm>>) target_semaphore(%run_scoped3A : memref<!tpu.dma_semaphore, #tpu.memory_space<semaphore_mem>>)
      %dma_wait3A = arith.constant 8192 : i32
      %dma_wait3A_61 = tpu.memref_slice %arg6[%add3A_4, %dma_wait3A] : memref<64x16384xf32, #tpu.memory_space<hbm>> -> memref<1x8192xf32, #tpu.memory_space<hbm>>
      %dma_wait3A_62 = tpu.memref_squeeze %dma_wait3A_61 : memref<1x8192xf32, #tpu.memory_space<hbm>> -> memref<8192xf32, #tpu.memory_space<hbm>>
      %dma_wait3A_63 = arith.constant 8192 : i32
      %dma_wait3A_64 = tpu.memref_slice %arg6[%add3A_4, %dma_wait3A_63] : memref<64x16384xf32, #tpu.memory_space<hbm>> -> memref<1x8192xf32, #tpu.memory_space<hbm>>
      %dma_wait3A_65 = tpu.memref_squeeze %dma_wait3A_64 : memref<1x8192xf32, #tpu.memory_space<hbm>> -> memref<8192xf32, #tpu.memory_space<hbm>>
      tpu.wait_dma2 semaphore(%run_scoped3A : memref<!tpu.dma_semaphore, #tpu.memory_space<semaphore_mem>>) src(%arg10 : memref<8192xf32, #tpu.memory_space<vmem>>) dst(%dma_wait3A_65 : memref<8192xf32, #tpu.memory_space<hbm>>)
      tpu.yield
    }) : () -> ()
    %mul3A_14 = arith.constant 2 : i32
    %mul3A_15 = arith.muli %add3A, %mul3A_14 : i32
    %add3A_16 = arith.constant 1 : i32
    %add3A_17 = arith.addi %mul3A_15, %add3A_16 : i32
    "tpu.region"() ({
      %run_scoped3A = tpu.sem_alloc : memref<!tpu.dma_semaphore, #tpu.memory_space<semaphore_mem>>
      %dma_start3A = arith.constant 0 : i32
      %dma_start3A_56 = tpu.memref_slice %arg2[%add3A_17, %dma_start3A] : memref<64x100000xf32, #tpu.memory_space<hbm>> -> memref<1x100000xf32, #tpu.memory_space<hbm>>
      %dma_start3A_57 = tpu.memref_squeeze %dma_start3A_56 : memref<1x100000xf32, #tpu.memory_space<hbm>> -> memref<100000xf32, #tpu.memory_space<hbm>>
      %dma_start3A_58 = arith.constant 0 : i32
      %dma_start3A_59 = tpu.memref_slice %arg2[%add3A_17, %dma_start3A_58] : memref<64x100000xf32, #tpu.memory_space<hbm>> -> memref<1x100000xf32, #tpu.memory_space<hbm>>
      %dma_start3A_60 = tpu.memref_squeeze %dma_start3A_59 : memref<1x100000xf32, #tpu.memory_space<hbm>> -> memref<100000xf32, #tpu.memory_space<hbm>>
      tpu.enqueue_dma source(%dma_start3A_60 : memref<100000xf32, #tpu.memory_space<hbm>>) target(%arg9 : memref<100000xf32, #tpu.memory_space<vmem>>) target_semaphore(%run_scoped3A : memref<!tpu.dma_semaphore, #tpu.memory_space<semaphore_mem>>)
      %dma_wait3A = arith.constant 0 : i32
      %dma_wait3A_61 = tpu.memref_slice %arg2[%add3A_17, %dma_wait3A] : memref<64x100000xf32, #tpu.memory_space<hbm>> -> memref<1x100000xf32, #tpu.memory_space<hbm>>
      %dma_wait3A_62 = tpu.memref_squeeze %dma_wait3A_61 : memref<1x100000xf32, #tpu.memory_space<hbm>> -> memref<100000xf32, #tpu.memory_space<hbm>>
      %dma_wait3A_63 = arith.constant 0 : i32
      %dma_wait3A_64 = tpu.memref_slice %arg2[%add3A_17, %dma_wait3A_63] : memref<64x100000xf32, #tpu.memory_space<hbm>> -> memref<1x100000xf32, #tpu.memory_space<hbm>>
      %dma_wait3A_65 = tpu.memref_squeeze %dma_wait3A_64 : memref<1x100000xf32, #tpu.memory_space<hbm>> -> memref<100000xf32, #tpu.memory_space<hbm>>
      tpu.wait_dma2 semaphore(%run_scoped3A : memref<!tpu.dma_semaphore, #tpu.memory_space<semaphore_mem>>) src(%dma_wait3A_65 : memref<100000xf32, #tpu.memory_space<hbm>>) dst(%arg9 : memref<100000xf32, #tpu.memory_space<vmem>>)
      tpu.yield
    }) : () -> ()
    "tpu.region"() ({
      %run_scoped3A = tpu.sem_alloc : memref<!tpu.dma_semaphore, #tpu.memory_space<semaphore_mem>>
      %dma_start3A = arith.constant 0 : i32
      %dma_start3A_56 = tpu.memref_slice %arg4[%dma_start3A] : memref<16384xi32, #tpu.memory_space<hbm>> -> memref<8192xi32, #tpu.memory_space<hbm>>
      %dma_start3A_57 = arith.constant 0 : i32
      %dma_start3A_58 = tpu.memref_slice %arg4[%dma_start3A_57] : memref<16384xi32, #tpu.memory_space<hbm>> -> memref<8192xi32, #tpu.memory_space<hbm>>
      tpu.enqueue_dma source(%dma_start3A_58 : memref<8192xi32, #tpu.memory_space<hbm>>) target(%arg8 : memref<8192xi32, #tpu.memory_space<vmem>>) target_semaphore(%run_scoped3A : memref<!tpu.dma_semaphore, #tpu.memory_space<semaphore_mem>>)
      %dma_wait3A = arith.constant 0 : i32
      %dma_wait3A_59 = tpu.memref_slice %arg4[%dma_wait3A] : memref<16384xi32, #tpu.memory_space<hbm>> -> memref<8192xi32, #tpu.memory_space<hbm>>
      %dma_wait3A_60 = arith.constant 0 : i32
      %dma_wait3A_61 = tpu.memref_slice %arg4[%dma_wait3A_60] : memref<16384xi32, #tpu.memory_space<hbm>> -> memref<8192xi32, #tpu.memory_space<hbm>>
      tpu.wait_dma2 semaphore(%run_scoped3A : memref<!tpu.dma_semaphore, #tpu.memory_space<semaphore_mem>>) src(%dma_wait3A_61 : memref<8192xi32, #tpu.memory_space<hbm>>) dst(%arg8 : memref<8192xi32, #tpu.memory_space<vmem>>)
      tpu.yield
    }) : () -> ()
    %scan3A_18 = arith.constant 0 : i32
    %scan3A_19 = arith.constant 512 : i32
    %scan3A_20 = arith.addi %scan3A_18, %scan3A_19 : i32
    %scan3A_21 = arith.constant 8 : i32
    scf.for %scan3A_56 = %scan3A_18 to %scan3A_20 step %scan3A_21  : i32 {
      %mul3A_57 = arith.constant 16 : i32
      %mul3A_58 = arith.muli %scan3A_56, %mul3A_57 : i32
      %get3A = arith.index_cast %mul3A_58 : i32 to index
      %get3A_59 = tpu.vector_load %arg8[%get3A] {strides = array<i32>} : memref<8192xi32, #tpu.memory_space<vmem>>, vector<16xi32>,
      %gather3A = tpu.vector_load_idx %arg9[%get3A_59] : memref<100000xf32, #tpu.memory_space<vmem>>[vector<16xi32>], vector<16xf32>,
      %mul3A_60 = arith.constant 16 : i32
      %mul3A_61 = arith.muli %scan3A_56, %mul3A_60 : i32
      %swap3A = arith.index_cast %mul3A_61 : i32 to index
      %swap3A_62 = tpu.vector_load %arg10[%swap3A] {strides = array<i32>} : memref<8192xf32, #tpu.memory_space<vmem>>, vector<16xf32>,
      tpu.vector_store %arg10[%swap3A], %gather3A {strides = array<i32>} : memref<8192xf32, #tpu.memory_space<vmem>>, vector<16xf32>,
      %scan3A_63 = arith.constant 1 : i32
      %scan3A_64 = arith.addi %scan3A_56, %scan3A_63 : i32
      %mul3A_65 = arith.constant 16 : i32
      %mul3A_66 = arith.muli %scan3A_64, %mul3A_65 : i32
      %get3A_67 = arith.index_cast %mul3A_66 : i32 to index
      %get3A_68 = tpu.vector_load %arg8[%get3A_67] {strides = array<i32>} : memref<8192xi32, #tpu.memory_space<vmem>>, vector<16xi32>,
      %gather3A_69 = tpu.vector_load_idx %arg9[%get3A_68] : memref<100000xf32, #tpu.memory_space<vmem>>[vector<16xi32>], vector<16xf32>,
      %mul3A_70 = arith.constant 16 : i32
      %mul3A_71 = arith.muli %scan3A_64, %mul3A_70 : i32
      %swap3A_72 = arith.index_cast %mul3A_71 : i32 to index
      %swap3A_73 = tpu.vector_load %arg10[%swap3A_72] {strides = array<i32>} : memref<8192xf32, #tpu.memory_space<vmem>>, vector<16xf32>,
      tpu.vector_store %arg10[%swap3A_72], %gather3A_69 {strides = array<i32>} : memref<8192xf32, #tpu.memory_space<vmem>>, vector<16xf32>,
      %scan3A_74 = arith.constant 2 : i32
      %scan3A_75 = arith.addi %scan3A_56, %scan3A_74 : i32
      %mul3A_76 = arith.constant 16 : i32
      %mul3A_77 = arith.muli %scan3A_75, %mul3A_76 : i32
      %get3A_78 = arith.index_cast %mul3A_77 : i32 to index
      %get3A_79 = tpu.vector_load %arg8[%get3A_78] {strides = array<i32>} : memref<8192xi32, #tpu.memory_space<vmem>>, vector<16xi32>,
      %gather3A_80 = tpu.vector_load_idx %arg9[%get3A_79] : memref<100000xf32, #tpu.memory_space<vmem>>[vector<16xi32>], vector<16xf32>,
      %mul3A_81 = arith.constant 16 : i32
      %mul3A_82 = arith.muli %scan3A_75, %mul3A_81 : i32
      %swap3A_83 = arith.index_cast %mul3A_82 : i32 to index
      %swap3A_84 = tpu.vector_load %arg10[%swap3A_83] {strides = array<i32>} : memref<8192xf32, #tpu.memory_space<vmem>>, vector<16xf32>,
      tpu.vector_store %arg10[%swap3A_83], %gather3A_80 {strides = array<i32>} : memref<8192xf32, #tpu.memory_space<vmem>>, vector<16xf32>,
      %scan3A_85 = arith.constant 3 : i32
      %scan3A_86 = arith.addi %scan3A_56, %scan3A_85 : i32
      %mul3A_87 = arith.constant 16 : i32
      %mul3A_88 = arith.muli %scan3A_86, %mul3A_87 : i32
      %get3A_89 = arith.index_cast %mul3A_88 : i32 to index
      %get3A_90 = tpu.vector_load %arg8[%get3A_89] {strides = array<i32>} : memref<8192xi32, #tpu.memory_space<vmem>>, vector<16xi32>,
      %gather3A_91 = tpu.vector_load_idx %arg9[%get3A_90] : memref<100000xf32, #tpu.memory_space<vmem>>[vector<16xi32>], vector<16xf32>,
      %mul3A_92 = arith.constant 16 : i32
      %mul3A_93 = arith.muli %scan3A_86, %mul3A_92 : i32
      %swap3A_94 = arith.index_cast %mul3A_93 : i32 to index
      %swap3A_95 = tpu.vector_load %arg10[%swap3A_94] {strides = array<i32>} : memref<8192xf32, #tpu.memory_space<vmem>>, vector<16xf32>,
      tpu.vector_store %arg10[%swap3A_94], %gather3A_91 {strides = array<i32>} : memref<8192xf32, #tpu.memory_space<vmem>>, vector<16xf32>,
      %scan3A_96 = arith.constant 4 : i32
      %scan3A_97 = arith.addi %scan3A_56, %scan3A_96 : i32
      %mul3A_98 = arith.constant 16 : i32
      %mul3A_99 = arith.muli %scan3A_97, %mul3A_98 : i32
      %get3A_100 = arith.index_cast %mul3A_99 : i32 to index
      %get3A_101 = tpu.vector_load %arg8[%get3A_100] {strides = array<i32>} : memref<8192xi32, #tpu.memory_space<vmem>>, vector<16xi32>,
      %gather3A_102 = tpu.vector_load_idx %arg9[%get3A_101] : memref<100000xf32, #tpu.memory_space<vmem>>[vector<16xi32>], vector<16xf32>,
      %mul3A_103 = arith.constant 16 : i32
      %mul3A_104 = arith.muli %scan3A_97, %mul3A_103 : i32
      %swap3A_105 = arith.index_cast %mul3A_104 : i32 to index
      %swap3A_106 = tpu.vector_load %arg10[%swap3A_105] {strides = array<i32>} : memref<8192xf32, #tpu.memory_space<vmem>>, vector<16xf32>,
      tpu.vector_store %arg10[%swap3A_105], %gather3A_102 {strides = array<i32>} : memref<8192xf32, #tpu.memory_space<vmem>>, vector<16xf32>,
      %scan3A_107 = arith.constant 5 : i32
      %scan3A_108 = arith.addi %scan3A_56, %scan3A_107 : i32
      %mul3A_109 = arith.constant 16 : i32
      %mul3A_110 = arith.muli %scan3A_108, %mul3A_109 : i32
      %get3A_111 = arith.index_cast %mul3A_110 : i32 to index
      %get3A_112 = tpu.vector_load %arg8[%get3A_111] {strides = array<i32>} : memref<8192xi32, #tpu.memory_space<vmem>>, vector<16xi32>,
      %gather3A_113 = tpu.vector_load_idx %arg9[%get3A_112] : memref<100000xf32, #tpu.memory_space<vmem>>[vector<16xi32>], vector<16xf32>,
      %mul3A_114 = arith.constant 16 : i32
      %mul3A_115 = arith.muli %scan3A_108, %mul3A_114 : i32
      %swap3A_116 = arith.index_cast %mul3A_115 : i32 to index
      %swap3A_117 = tpu.vector_load %arg10[%swap3A_116] {strides = array<i32>} : memref<8192xf32, #tpu.memory_space<vmem>>, vector<16xf32>,
      tpu.vector_store %arg10[%swap3A_116], %gather3A_113 {strides = array<i32>} : memref<8192xf32, #tpu.memory_space<vmem>>, vector<16xf32>,
      %scan3A_118 = arith.constant 6 : i32
      %scan3A_119 = arith.addi %scan3A_56, %scan3A_118 : i32
      %mul3A_120 = arith.constant 16 : i32
      %mul3A_121 = arith.muli %scan3A_119, %mul3A_120 : i32
      %get3A_122 = arith.index_cast %mul3A_121 : i32 to index
      %get3A_123 = tpu.vector_load %arg8[%get3A_122] {strides = array<i32>} : memref<8192xi32, #tpu.memory_space<vmem>>, vector<16xi32>,
      %gather3A_124 = tpu.vector_load_idx %arg9[%get3A_123] : memref<100000xf32, #tpu.memory_space<vmem>>[vector<16xi32>], vector<16xf32>,
      %mul3A_125 = arith.constant 16 : i32
      %mul3A_126 = arith.muli %scan3A_119, %mul3A_125 : i32
      %swap3A_127 = arith.index_cast %mul3A_126 : i32 to index
      %swap3A_128 = tpu.vector_load %arg10[%swap3A_127] {strides = array<i32>} : memref<8192xf32, #tpu.memory_space<vmem>>, vector<16xf32>,
      tpu.vector_store %arg10[%swap3A_127], %gather3A_124 {strides = array<i32>} : memref<8192xf32, #tpu.memory_space<vmem>>, vector<16xf32>,
      %scan3A_129 = arith.constant 7 : i32
      %scan3A_130 = arith.addi %scan3A_56, %scan3A_129 : i32
      %mul3A_131 = arith.constant 16 : i32
      %mul3A_132 = arith.muli %scan3A_130, %mul3A_131 : i32
      %get3A_133 = arith.index_cast %mul3A_132 : i32 to index
      %get3A_134 = tpu.vector_load %arg8[%get3A_133] {strides = array<i32>} : memref<8192xi32, #tpu.memory_space<vmem>>, vector<16xi32>,
      %gather3A_135 = tpu.vector_load_idx %arg9[%get3A_134] : memref<100000xf32, #tpu.memory_space<vmem>>[vector<16xi32>], vector<16xf32>,
      %mul3A_136 = arith.constant 16 : i32
      %mul3A_137 = arith.muli %scan3A_130, %mul3A_136 : i32
      %swap3A_138 = arith.index_cast %mul3A_137 : i32 to index
      %swap3A_139 = tpu.vector_load %arg10[%swap3A_138] {strides = array<i32>} : memref<8192xf32, #tpu.memory_space<vmem>>, vector<16xf32>,
      tpu.vector_store %arg10[%swap3A_138], %gather3A_135 {strides = array<i32>} : memref<8192xf32, #tpu.memory_space<vmem>>, vector<16xf32>,
    }
    %scan3A_22 = arith.constant 512 : i32
    "tpu.region"() ({
      %run_scoped3A = tpu.sem_alloc : memref<!tpu.dma_semaphore, #tpu.memory_space<semaphore_mem>>
      %dma_start3A = arith.constant 0 : i32
      %dma_start3A_56 = tpu.memref_slice %arg6[%add3A_17, %dma_start3A] : memref<64x16384xf32, #tpu.memory_space<hbm>> -> memref<1x8192xf32, #tpu.memory_space<hbm>>
      %dma_start3A_57 = tpu.memref_squeeze %dma_start3A_56 : memref<1x8192xf32, #tpu.memory_space<hbm>> -> memref<8192xf32, #tpu.memory_space<hbm>>
      %dma_start3A_58 = arith.constant 0 : i32
      %dma_start3A_59 = tpu.memref_slice %arg6[%add3A_17, %dma_start3A_58] : memref<64x16384xf32, #tpu.memory_space<hbm>> -> memref<1x8192xf32, #tpu.memory_space<hbm>>
      %dma_start3A_60 = tpu.memref_squeeze %dma_start3A_59 : memref<1x8192xf32, #tpu.memory_space<hbm>> -> memref<8192xf32, #tpu.memory_space<hbm>>
      tpu.enqueue_dma source(%arg10 : memref<8192xf32, #tpu.memory_space<vmem>>) target(%dma_start3A_60 : memref<8192xf32, #tpu.memory_space<hbm>>) target_semaphore(%run_scoped3A : memref<!tpu.dma_semaphore, #tpu.memory_space<semaphore_mem>>)
      %dma_wait3A = arith.constant 0 : i32
      %dma_wait3A_61 = tpu.memref_slice %arg6[%add3A_17, %dma_wait3A] : memref<64x16384xf32, #tpu.memory_space<hbm>> -> memref<1x8192xf32, #tpu.memory_space<hbm>>
      %dma_wait3A_62 = tpu.memref_squeeze %dma_wait3A_61 : memref<1x8192xf32, #tpu.memory_space<hbm>> -> memref<8192xf32, #tpu.memory_space<hbm>>
      %dma_wait3A_63 = arith.constant 0 : i32
      %dma_wait3A_64 = tpu.memref_slice %arg6[%add3A_17, %dma_wait3A_63] : memref<64x16384xf32, #tpu.memory_space<hbm>> -> memref<1x8192xf32, #tpu.memory_space<hbm>>
      %dma_wait3A_65 = tpu.memref_squeeze %dma_wait3A_64 : memref<1x8192xf32, #tpu.memory_space<hbm>> -> memref<8192xf32, #tpu.memory_space<hbm>>
      tpu.wait_dma2 semaphore(%run_scoped3A : memref<!tpu.dma_semaphore, #tpu.memory_space<semaphore_mem>>) src(%arg10 : memref<8192xf32, #tpu.memory_space<vmem>>) dst(%dma_wait3A_65 : memref<8192xf32, #tpu.memory_space<hbm>>)
      tpu.yield
    }) : () -> ()
    "tpu.region"() ({
      %run_scoped3A = tpu.sem_alloc : memref<!tpu.dma_semaphore, #tpu.memory_space<semaphore_mem>>
      %dma_start3A = arith.constant 8192 : i32
      %dma_start3A_56 = tpu.memref_slice %arg4[%dma_start3A] : memref<16384xi32, #tpu.memory_space<hbm>> -> memref<8192xi32, #tpu.memory_space<hbm>>
      %dma_start3A_57 = arith.constant 8192 : i32
      %dma_start3A_58 = tpu.memref_slice %arg4[%dma_start3A_57] : memref<16384xi32, #tpu.memory_space<hbm>> -> memref<8192xi32, #tpu.memory_space<hbm>>
      tpu.enqueue_dma source(%dma_start3A_58 : memref<8192xi32, #tpu.memory_space<hbm>>) target(%arg8 : memref<8192xi32, #tpu.memory_space<vmem>>) target_semaphore(%run_scoped3A : memref<!tpu.dma_semaphore, #tpu.memory_space<semaphore_mem>>)
      %dma_wait3A = arith.constant 8192 : i32
      %dma_wait3A_59 = tpu.memref_slice %arg4[%dma_wait3A] : memref<16384xi32, #tpu.memory_space<hbm>> -> memref<8192xi32, #tpu.memory_space<hbm>>
      %dma_wait3A_60 = arith.constant 8192 : i32
      %dma_wait3A_61 = tpu.memref_slice %arg4[%dma_wait3A_60] : memref<16384xi32, #tpu.memory_space<hbm>> -> memref<8192xi32, #tpu.memory_space<hbm>>
      tpu.wait_dma2 semaphore(%run_scoped3A : memref<!tpu.dma_semaphore, #tpu.memory_space<semaphore_mem>>) src(%dma_wait3A_61 : memref<8192xi32, #tpu.memory_space<hbm>>) dst(%arg8 : memref<8192xi32, #tpu.memory_space<vmem>>)
      tpu.yield
    }) : () -> ()
    %scan3A_23 = arith.constant 0 : i32
    %scan3A_24 = arith.constant 512 : i32
    %scan3A_25 = arith.addi %scan3A_23, %scan3A_24 : i32
    %scan3A_26 = arith.constant 8 : i32
    scf.for %scan3A_56 = %scan3A_23 to %scan3A_25 step %scan3A_26  : i32 {
      %mul3A_57 = arith.constant 16 : i32
      %mul3A_58 = arith.muli %scan3A_56, %mul3A_57 : i32
      %get3A = arith.index_cast %mul3A_58 : i32 to index
      %get3A_59 = tpu.vector_load %arg8[%get3A] {strides = array<i32>} : memref<8192xi32, #tpu.memory_space<vmem>>, vector<16xi32>,
      %gather3A = tpu.vector_load_idx %arg9[%get3A_59] : memref<100000xf32, #tpu.memory_space<vmem>>[vector<16xi32>], vector<16xf32>,
      %mul3A_60 = arith.constant 16 : i32
      %mul3A_61 = arith.muli %scan3A_56, %mul3A_60 : i32
      %swap3A = arith.index_cast %mul3A_61 : i32 to index
      %swap3A_62 = tpu.vector_load %arg10[%swap3A] {strides = array<i32>} : memref<8192xf32, #tpu.memory_space<vmem>>, vector<16xf32>,
      tpu.vector_store %arg10[%swap3A], %gather3A {strides = array<i32>} : memref<8192xf32, #tpu.memory_space<vmem>>, vector<16xf32>,
      %scan3A_63 = arith.constant 1 : i32
      %scan3A_64 = arith.addi %scan3A_56, %scan3A_63 : i32
      %mul3A_65 = arith.constant 16 : i32
      %mul3A_66 = arith.muli %scan3A_64, %mul3A_65 : i32
      %get3A_67 = arith.index_cast %mul3A_66 : i32 to index
      %get3A_68 = tpu.vector_load %arg8[%get3A_67] {strides = array<i32>} : memref<8192xi32, #tpu.memory_space<vmem>>, vector<16xi32>,
      %gather3A_69 = tpu.vector_load_idx %arg9[%get3A_68] : memref<100000xf32, #tpu.memory_space<vmem>>[vector<16xi32>], vector<16xf32>,
      %mul3A_70 = arith.constant 16 : i32
      %mul3A_71 = arith.muli %scan3A_64, %mul3A_70 : i32
      %swap3A_72 = arith.index_cast %mul3A_71 : i32 to index
      %swap3A_73 = tpu.vector_load %arg10[%swap3A_72] {strides = array<i32>} : memref<8192xf32, #tpu.memory_space<vmem>>, vector<16xf32>,
      tpu.vector_store %arg10[%swap3A_72], %gather3A_69 {strides = array<i32>} : memref<8192xf32, #tpu.memory_space<vmem>>, vector<16xf32>,
      %scan3A_74 = arith.constant 2 : i32
      %scan3A_75 = arith.addi %scan3A_56, %scan3A_74 : i32
      %mul3A_76 = arith.constant 16 : i32
      %mul3A_77 = arith.muli %scan3A_75, %mul3A_76 : i32
      %get3A_78 = arith.index_cast %mul3A_77 : i32 to index
      %get3A_79 = tpu.vector_load %arg8[%get3A_78] {strides = array<i32>} : memref<8192xi32, #tpu.memory_space<vmem>>, vector<16xi32>,
      %gather3A_80 = tpu.vector_load_idx %arg9[%get3A_79] : memref<100000xf32, #tpu.memory_space<vmem>>[vector<16xi32>], vector<16xf32>,
      %mul3A_81 = arith.constant 16 : i32
      %mul3A_82 = arith.muli %scan3A_75, %mul3A_81 : i32
      %swap3A_83 = arith.index_cast %mul3A_82 : i32 to index
      %swap3A_84 = tpu.vector_load %arg10[%swap3A_83] {strides = array<i32>} : memref<8192xf32, #tpu.memory_space<vmem>>, vector<16xf32>,
      tpu.vector_store %arg10[%swap3A_83], %gather3A_80 {strides = array<i32>} : memref<8192xf32, #tpu.memory_space<vmem>>, vector<16xf32>,
      %scan3A_85 = arith.constant 3 : i32
      %scan3A_86 = arith.addi %scan3A_56, %scan3A_85 : i32
      %mul3A_87 = arith.constant 16 : i32
      %mul3A_88 = arith.muli %scan3A_86, %mul3A_87 : i32
      %get3A_89 = arith.index_cast %mul3A_88 : i32 to index
      %get3A_90 = tpu.vector_load %arg8[%get3A_89] {strides = array<i32>} : memref<8192xi32, #tpu.memory_space<vmem>>, vector<16xi32>,
      %gather3A_91 = tpu.vector_load_idx %arg9[%get3A_90] : memref<100000xf32, #tpu.memory_space<vmem>>[vector<16xi32>], vector<16xf32>,
      %mul3A_92 = arith.constant 16 : i32
      %mul3A_93 = arith.muli %scan3A_86, %mul3A_92 : i32
      %swap3A_94 = arith.index_cast %mul3A_93 : i32 to index
      %swap3A_95 = tpu.vector_load %arg10[%swap3A_94] {strides = array<i32>} : memref<8192xf32, #tpu.memory_space<vmem>>, vector<16xf32>,
      tpu.vector_store %arg10[%swap3A_94], %gather3A_91 {strides = array<i32>} : memref<8192xf32, #tpu.memory_space<vmem>>, vector<16xf32>,
      %scan3A_96 = arith.constant 4 : i32
      %scan3A_97 = arith.addi %scan3A_56, %scan3A_96 : i32
      %mul3A_98 = arith.constant 16 : i32
      %mul3A_99 = arith.muli %scan3A_97, %mul3A_98 : i32
      %get3A_100 = arith.index_cast %mul3A_99 : i32 to index
      %get3A_101 = tpu.vector_load %arg8[%get3A_100] {strides = array<i32>} : memref<8192xi32, #tpu.memory_space<vmem>>, vector<16xi32>,
      %gather3A_102 = tpu.vector_load_idx %arg9[%get3A_101] : memref<100000xf32, #tpu.memory_space<vmem>>[vector<16xi32>], vector<16xf32>,
      %mul3A_103 = arith.constant 16 : i32
      %mul3A_104 = arith.muli %scan3A_97, %mul3A_103 : i32
      %swap3A_105 = arith.index_cast %mul3A_104 : i32 to index
      %swap3A_106 = tpu.vector_load %arg10[%swap3A_105] {strides = array<i32>} : memref<8192xf32, #tpu.memory_space<vmem>>, vector<16xf32>,
      tpu.vector_store %arg10[%swap3A_105], %gather3A_102 {strides = array<i32>} : memref<8192xf32, #tpu.memory_space<vmem>>, vector<16xf32>,
      %scan3A_107 = arith.constant 5 : i32
      %scan3A_108 = arith.addi %scan3A_56, %scan3A_107 : i32
      %mul3A_109 = arith.constant 16 : i32
      %mul3A_110 = arith.muli %scan3A_108, %mul3A_109 : i32
      %get3A_111 = arith.index_cast %mul3A_110 : i32 to index
      %get3A_112 = tpu.vector_load %arg8[%get3A_111] {strides = array<i32>} : memref<8192xi32, #tpu.memory_space<vmem>>, vector<16xi32>,
      %gather3A_113 = tpu.vector_load_idx %arg9[%get3A_112] : memref<100000xf32, #tpu.memory_space<vmem>>[vector<16xi32>], vector<16xf32>,
      %mul3A_114 = arith.constant 16 : i32
      %mul3A_115 = arith.muli %scan3A_108, %mul3A_114 : i32
      %swap3A_116 = arith.index_cast %mul3A_115 : i32 to index
      %swap3A_117 = tpu.vector_load %arg10[%swap3A_116] {strides = array<i32>} : memref<8192xf32, #tpu.memory_space<vmem>>, vector<16xf32>,
      tpu.vector_store %arg10[%swap3A_116], %gather3A_113 {strides = array<i32>} : memref<8192xf32, #tpu.memory_space<vmem>>, vector<16xf32>,
      %scan3A_118 = arith.constant 6 : i32
      %scan3A_119 = arith.addi %scan3A_56, %scan3A_118 : i32
      %mul3A_120 = arith.constant 16 : i32
      %mul3A_121 = arith.muli %scan3A_119, %mul3A_120 : i32
      %get3A_122 = arith.index_cast %mul3A_121 : i32 to index
      %get3A_123 = tpu.vector_load %arg8[%get3A_122] {strides = array<i32>} : memref<8192xi32, #tpu.memory_space<vmem>>, vector<16xi32>,
      %gather3A_124 = tpu.vector_load_idx %arg9[%get3A_123] : memref<100000xf32, #tpu.memory_space<vmem>>[vector<16xi32>], vector<16xf32>,
      %mul3A_125 = arith.constant 16 : i32
      %mul3A_126 = arith.muli %scan3A_119, %mul3A_125 : i32
      %swap3A_127 = arith.index_cast %mul3A_126 : i32 to index
      %swap3A_128 = tpu.vector_load %arg10[%swap3A_127] {strides = array<i32>} : memref<8192xf32, #tpu.memory_space<vmem>>, vector<16xf32>,
      tpu.vector_store %arg10[%swap3A_127], %gather3A_124 {strides = array<i32>} : memref<8192xf32, #tpu.memory_space<vmem>>, vector<16xf32>,
      %scan3A_129 = arith.constant 7 : i32
      %scan3A_130 = arith.addi %scan3A_56, %scan3A_129 : i32
      %mul3A_131 = arith.constant 16 : i32
      %mul3A_132 = arith.muli %scan3A_130, %mul3A_131 : i32
      %get3A_133 = arith.index_cast %mul3A_132 : i32 to index
      %get3A_134 = tpu.vector_load %arg8[%get3A_133] {strides = array<i32>} : memref<8192xi32, #tpu.memory_space<vmem>>, vector<16xi32>,
      %gather3A_135 = tpu.vector_load_idx %arg9[%get3A_134] : memref<100000xf32, #tpu.memory_space<vmem>>[vector<16xi32>], vector<16xf32>,
      %mul3A_136 = arith.constant 16 : i32
      %mul3A_137 = arith.muli %scan3A_130, %mul3A_136 : i32
      %swap3A_138 = arith.index_cast %mul3A_137 : i32 to index
      %swap3A_139 = tpu.vector_load %arg10[%swap3A_138] {strides = array<i32>} : memref<8192xf32, #tpu.memory_space<vmem>>, vector<16xf32>,
      tpu.vector_store %arg10[%swap3A_138], %gather3A_135 {strides = array<i32>} : memref<8192xf32, #tpu.memory_space<vmem>>, vector<16xf32>,
    }
    %scan3A_27 = arith.constant 512 : i32
    "tpu.region"() ({
      %run_scoped3A = tpu.sem_alloc : memref<!tpu.dma_semaphore, #tpu.memory_space<semaphore_mem>>
      %dma_start3A = arith.constant 8192 : i32
      %dma_start3A_56 = tpu.memref_slice %arg6[%add3A_17, %dma_start3A] : memref<64x16384xf32, #tpu.memory_space<hbm>> -> memref<1x8192xf32, #tpu.memory_space<hbm>>
      %dma_start3A_57 = tpu.memref_squeeze %dma_start3A_56 : memref<1x8192xf32, #tpu.memory_space<hbm>> -> memref<8192xf32, #tpu.memory_space<hbm>>
      %dma_start3A_58 = arith.constant 8192 : i32
      %dma_start3A_59 = tpu.memref_slice %arg6[%add3A_17, %dma_start3A_58] : memref<64x16384xf32, #tpu.memory_space<hbm>> -> memref<1x8192xf32, #tpu.memory_space<hbm>>
      %dma_start3A_60 = tpu.memref_squeeze %dma_start3A_59 : memref<1x8192xf32, #tpu.memory_space<hbm>> -> memref<8192xf32, #tpu.memory_space<hbm>>
      tpu.enqueue_dma source(%arg10 : memref<8192xf32, #tpu.memory_space<vmem>>) target(%dma_start3A_60 : memref<8192xf32, #tpu.memory_space<hbm>>) target_semaphore(%run_scoped3A : memref<!tpu.dma_semaphore, #tpu.memory_space<semaphore_mem>>)
      %dma_wait3A = arith.constant 8192 : i32
      %dma_wait3A_61 = tpu.memref_slice %arg6[%add3A_17, %dma_wait3A] : memref<64x16384xf32, #tpu.memory_space<hbm>> -> memref<1x8192xf32, #tpu.memory_space<hbm>>
      %dma_wait3A_62 = tpu.memref_squeeze %dma_wait3A_61 : memref<1x8192xf32, #tpu.memory_space<hbm>> -> memref<8192xf32, #tpu.memory_space<hbm>>
      %dma_wait3A_63 = arith.constant 8192 : i32
      %dma_wait3A_64 = tpu.memref_slice %arg6[%add3A_17, %dma_wait3A_63] : memref<64x16384xf32, #tpu.memory_space<hbm>> -> memref<1x8192xf32, #tpu.memory_space<hbm>>
      %dma_wait3A_65 = tpu.memref_squeeze %dma_wait3A_64 : memref<1x8192xf32, #tpu.memory_space<hbm>> -> memref<8192xf32, #tpu.memory_space<hbm>>
      tpu.wait_dma2 semaphore(%run_scoped3A : memref<!tpu.dma_semaphore, #tpu.memory_space<semaphore_mem>>) src(%arg10 : memref<8192xf32, #tpu.memory_space<vmem>>) dst(%dma_wait3A_65 : memref<8192xf32, #tpu.memory_space<hbm>>)
      tpu.yield
    }) : () -> ()
    %mul3A_28 = arith.constant 2 : i32
    %mul3A_29 = arith.muli %add3A, %mul3A_28 : i32
    %add3A_30 = arith.constant 0 : i32
    %add3A_31 = arith.addi %mul3A_29, %add3A_30 : i32
    "tpu.region"() ({
      %run_scoped3A = tpu.sem_alloc : memref<!tpu.dma_semaphore, #tpu.memory_space<semaphore_mem>>
      %dma_start3A = arith.constant 0 : i32
      %dma_start3A_56 = tpu.memref_slice %arg3[%add3A_31, %dma_start3A] : memref<64x100000xf32, #tpu.memory_space<hbm>> -> memref<1x100000xf32, #tpu.memory_space<hbm>>
      %dma_start3A_57 = tpu.memref_squeeze %dma_start3A_56 : memref<1x100000xf32, #tpu.memory_space<hbm>> -> memref<100000xf32, #tpu.memory_space<hbm>>
      %dma_start3A_58 = arith.constant 0 : i32
      %dma_start3A_59 = tpu.memref_slice %arg3[%add3A_31, %dma_start3A_58] : memref<64x100000xf32, #tpu.memory_space<hbm>> -> memref<1x100000xf32, #tpu.memory_space<hbm>>
      %dma_start3A_60 = tpu.memref_squeeze %dma_start3A_59 : memref<1x100000xf32, #tpu.memory_space<hbm>> -> memref<100000xf32, #tpu.memory_space<hbm>>
      tpu.enqueue_dma source(%dma_start3A_60 : memref<100000xf32, #tpu.memory_space<hbm>>) target(%arg9 : memref<100000xf32, #tpu.memory_space<vmem>>) target_semaphore(%run_scoped3A : memref<!tpu.dma_semaphore, #tpu.memory_space<semaphore_mem>>)
      %dma_wait3A = arith.constant 0 : i32
      %dma_wait3A_61 = tpu.memref_slice %arg3[%add3A_31, %dma_wait3A] : memref<64x100000xf32, #tpu.memory_space<hbm>> -> memref<1x100000xf32, #tpu.memory_space<hbm>>
      %dma_wait3A_62 = tpu.memref_squeeze %dma_wait3A_61 : memref<1x100000xf32, #tpu.memory_space<hbm>> -> memref<100000xf32, #tpu.memory_space<hbm>>
      %dma_wait3A_63 = arith.constant 0 : i32
      %dma_wait3A_64 = tpu.memref_slice %arg3[%add3A_31, %dma_wait3A_63] : memref<64x100000xf32, #tpu.memory_space<hbm>> -> memref<1x100000xf32, #tpu.memory_space<hbm>>
      %dma_wait3A_65 = tpu.memref_squeeze %dma_wait3A_64 : memref<1x100000xf32, #tpu.memory_space<hbm>> -> memref<100000xf32, #tpu.memory_space<hbm>>
      tpu.wait_dma2 semaphore(%run_scoped3A : memref<!tpu.dma_semaphore, #tpu.memory_space<semaphore_mem>>) src(%dma_wait3A_65 : memref<100000xf32, #tpu.memory_space<hbm>>) dst(%arg9 : memref<100000xf32, #tpu.memory_space<vmem>>)
      tpu.yield
    }) : () -> ()
    "tpu.region"() ({
      %run_scoped3A = tpu.sem_alloc : memref<!tpu.dma_semaphore, #tpu.memory_space<semaphore_mem>>
      %dma_start3A = arith.constant 0 : i32
      %dma_start3A_56 = tpu.memref_slice %arg5[%dma_start3A] : memref<16384xi32, #tpu.memory_space<hbm>> -> memref<8192xi32, #tpu.memory_space<hbm>>
      %dma_start3A_57 = arith.constant 0 : i32
      %dma_start3A_58 = tpu.memref_slice %arg5[%dma_start3A_57] : memref<16384xi32, #tpu.memory_space<hbm>> -> memref<8192xi32, #tpu.memory_space<hbm>>
      tpu.enqueue_dma source(%dma_start3A_58 : memref<8192xi32, #tpu.memory_space<hbm>>) target(%arg8 : memref<8192xi32, #tpu.memory_space<vmem>>) target_semaphore(%run_scoped3A : memref<!tpu.dma_semaphore, #tpu.memory_space<semaphore_mem>>)
      %dma_wait3A = arith.constant 0 : i32
      %dma_wait3A_59 = tpu.memref_slice %arg5[%dma_wait3A] : memref<16384xi32, #tpu.memory_space<hbm>> -> memref<8192xi32, #tpu.memory_space<hbm>>
      %dma_wait3A_60 = arith.constant 0 : i32
      %dma_wait3A_61 = tpu.memref_slice %arg5[%dma_wait3A_60] : memref<16384xi32, #tpu.memory_space<hbm>> -> memref<8192xi32, #tpu.memory_space<hbm>>
      tpu.wait_dma2 semaphore(%run_scoped3A : memref<!tpu.dma_semaphore, #tpu.memory_space<semaphore_mem>>) src(%dma_wait3A_61 : memref<8192xi32, #tpu.memory_space<hbm>>) dst(%arg8 : memref<8192xi32, #tpu.memory_space<vmem>>)
      tpu.yield
    }) : () -> ()
    %scan3A_32 = arith.constant 0 : i32
    %scan3A_33 = arith.constant 512 : i32
    %scan3A_34 = arith.addi %scan3A_32, %scan3A_33 : i32
    %scan3A_35 = arith.constant 8 : i32
    scf.for %scan3A_56 = %scan3A_32 to %scan3A_34 step %scan3A_35  : i32 {
      %mul3A_57 = arith.constant 16 : i32
      %mul3A_58 = arith.muli %scan3A_56, %mul3A_57 : i32
      %get3A = arith.index_cast %mul3A_58 : i32 to index
      %get3A_59 = tpu.vector_load %arg8[%get3A] {strides = array<i32>} : memref<8192xi32, #tpu.memory_space<vmem>>, vector<16xi32>,
      %gather3A = tpu.vector_load_idx %arg9[%get3A_59] : memref<100000xf32, #tpu.memory_space<vmem>>[vector<16xi32>], vector<16xf32>,
      %mul3A_60 = arith.constant 16 : i32
      %mul3A_61 = arith.muli %scan3A_56, %mul3A_60 : i32
      %swap3A = arith.index_cast %mul3A_61 : i32 to index
      %swap3A_62 = tpu.vector_load %arg10[%swap3A] {strides = array<i32>} : memref<8192xf32, #tpu.memory_space<vmem>>, vector<16xf32>,
      tpu.vector_store %arg10[%swap3A], %gather3A {strides = array<i32>} : memref<8192xf32, #tpu.memory_space<vmem>>, vector<16xf32>,
      %scan3A_63 = arith.constant 1 : i32
      %scan3A_64 = arith.addi %scan3A_56, %scan3A_63 : i32
      %mul3A_65 = arith.constant 16 : i32
      %mul3A_66 = arith.muli %scan3A_64, %mul3A_65 : i32
      %get3A_67 = arith.index_cast %mul3A_66 : i32 to index
      %get3A_68 = tpu.vector_load %arg8[%get3A_67] {strides = array<i32>} : memref<8192xi32, #tpu.memory_space<vmem>>, vector<16xi32>,
      %gather3A_69 = tpu.vector_load_idx %arg9[%get3A_68] : memref<100000xf32, #tpu.memory_space<vmem>>[vector<16xi32>], vector<16xf32>,
      %mul3A_70 = arith.constant 16 : i32
      %mul3A_71 = arith.muli %scan3A_64, %mul3A_70 : i32
      %swap3A_72 = arith.index_cast %mul3A_71 : i32 to index
      %swap3A_73 = tpu.vector_load %arg10[%swap3A_72] {strides = array<i32>} : memref<8192xf32, #tpu.memory_space<vmem>>, vector<16xf32>,
      tpu.vector_store %arg10[%swap3A_72], %gather3A_69 {strides = array<i32>} : memref<8192xf32, #tpu.memory_space<vmem>>, vector<16xf32>,
      %scan3A_74 = arith.constant 2 : i32
      %scan3A_75 = arith.addi %scan3A_56, %scan3A_74 : i32
      %mul3A_76 = arith.constant 16 : i32
      %mul3A_77 = arith.muli %scan3A_75, %mul3A_76 : i32
      %get3A_78 = arith.index_cast %mul3A_77 : i32 to index
      %get3A_79 = tpu.vector_load %arg8[%get3A_78] {strides = array<i32>} : memref<8192xi32, #tpu.memory_space<vmem>>, vector<16xi32>,
      %gather3A_80 = tpu.vector_load_idx %arg9[%get3A_79] : memref<100000xf32, #tpu.memory_space<vmem>>[vector<16xi32>], vector<16xf32>,
      %mul3A_81 = arith.constant 16 : i32
      %mul3A_82 = arith.muli %scan3A_75, %mul3A_81 : i32
      %swap3A_83 = arith.index_cast %mul3A_82 : i32 to index
      %swap3A_84 = tpu.vector_load %arg10[%swap3A_83] {strides = array<i32>} : memref<8192xf32, #tpu.memory_space<vmem>>, vector<16xf32>,
      tpu.vector_store %arg10[%swap3A_83], %gather3A_80 {strides = array<i32>} : memref<8192xf32, #tpu.memory_space<vmem>>, vector<16xf32>,
      %scan3A_85 = arith.constant 3 : i32
      %scan3A_86 = arith.addi %scan3A_56, %scan3A_85 : i32
      %mul3A_87 = arith.constant 16 : i32
      %mul3A_88 = arith.muli %scan3A_86, %mul3A_87 : i32
      %get3A_89 = arith.index_cast %mul3A_88 : i32 to index
      %get3A_90 = tpu.vector_load %arg8[%get3A_89] {strides = array<i32>} : memref<8192xi32, #tpu.memory_space<vmem>>, vector<16xi32>,
      %gather3A_91 = tpu.vector_load_idx %arg9[%get3A_90] : memref<100000xf32, #tpu.memory_space<vmem>>[vector<16xi32>], vector<16xf32>,
      %mul3A_92 = arith.constant 16 : i32
      %mul3A_93 = arith.muli %scan3A_86, %mul3A_92 : i32
      %swap3A_94 = arith.index_cast %mul3A_93 : i32 to index
      %swap3A_95 = tpu.vector_load %arg10[%swap3A_94] {strides = array<i32>} : memref<8192xf32, #tpu.memory_space<vmem>>, vector<16xf32>,
      tpu.vector_store %arg10[%swap3A_94], %gather3A_91 {strides = array<i32>} : memref<8192xf32, #tpu.memory_space<vmem>>, vector<16xf32>,
      %scan3A_96 = arith.constant 4 : i32
      %scan3A_97 = arith.addi %scan3A_56, %scan3A_96 : i32
      %mul3A_98 = arith.constant 16 : i32
      %mul3A_99 = arith.muli %scan3A_97, %mul3A_98 : i32
      %get3A_100 = arith.index_cast %mul3A_99 : i32 to index
      %get3A_101 = tpu.vector_load %arg8[%get3A_100] {strides = array<i32>} : memref<8192xi32, #tpu.memory_space<vmem>>, vector<16xi32>,
      %gather3A_102 = tpu.vector_load_idx %arg9[%get3A_101] : memref<100000xf32, #tpu.memory_space<vmem>>[vector<16xi32>], vector<16xf32>,
      %mul3A_103 = arith.constant 16 : i32
      %mul3A_104 = arith.muli %scan3A_97, %mul3A_103 : i32
      %swap3A_105 = arith.index_cast %mul3A_104 : i32 to index
      %swap3A_106 = tpu.vector_load %arg10[%swap3A_105] {strides = array<i32>} : memref<8192xf32, #tpu.memory_space<vmem>>, vector<16xf32>,
      tpu.vector_store %arg10[%swap3A_105], %gather3A_102 {strides = array<i32>} : memref<8192xf32, #tpu.memory_space<vmem>>, vector<16xf32>,
      %scan3A_107 = arith.constant 5 : i32
      %scan3A_108 = arith.addi %scan3A_56, %scan3A_107 : i32
      %mul3A_109 = arith.constant 16 : i32
      %mul3A_110 = arith.muli %scan3A_108, %mul3A_109 : i32
      %get3A_111 = arith.index_cast %mul3A_110 : i32 to index
      %get3A_112 = tpu.vector_load %arg8[%get3A_111] {strides = array<i32>} : memref<8192xi32, #tpu.memory_space<vmem>>, vector<16xi32>,
      %gather3A_113 = tpu.vector_load_idx %arg9[%get3A_112] : memref<100000xf32, #tpu.memory_space<vmem>>[vector<16xi32>], vector<16xf32>,
      %mul3A_114 = arith.constant 16 : i32
      %mul3A_115 = arith.muli %scan3A_108, %mul3A_114 : i32
      %swap3A_116 = arith.index_cast %mul3A_115 : i32 to index
      %swap3A_117 = tpu.vector_load %arg10[%swap3A_116] {strides = array<i32>} : memref<8192xf32, #tpu.memory_space<vmem>>, vector<16xf32>,
      tpu.vector_store %arg10[%swap3A_116], %gather3A_113 {strides = array<i32>} : memref<8192xf32, #tpu.memory_space<vmem>>, vector<16xf32>,
      %scan3A_118 = arith.constant 6 : i32
      %scan3A_119 = arith.addi %scan3A_56, %scan3A_118 : i32
      %mul3A_120 = arith.constant 16 : i32
      %mul3A_121 = arith.muli %scan3A_119, %mul3A_120 : i32
      %get3A_122 = arith.index_cast %mul3A_121 : i32 to index
      %get3A_123 = tpu.vector_load %arg8[%get3A_122] {strides = array<i32>} : memref<8192xi32, #tpu.memory_space<vmem>>, vector<16xi32>,
      %gather3A_124 = tpu.vector_load_idx %arg9[%get3A_123] : memref<100000xf32, #tpu.memory_space<vmem>>[vector<16xi32>], vector<16xf32>,
      %mul3A_125 = arith.constant 16 : i32
      %mul3A_126 = arith.muli %scan3A_119, %mul3A_125 : i32
      %swap3A_127 = arith.index_cast %mul3A_126 : i32 to index
      %swap3A_128 = tpu.vector_load %arg10[%swap3A_127] {strides = array<i32>} : memref<8192xf32, #tpu.memory_space<vmem>>, vector<16xf32>,
      tpu.vector_store %arg10[%swap3A_127], %gather3A_124 {strides = array<i32>} : memref<8192xf32, #tpu.memory_space<vmem>>, vector<16xf32>,
      %scan3A_129 = arith.constant 7 : i32
      %scan3A_130 = arith.addi %scan3A_56, %scan3A_129 : i32
      %mul3A_131 = arith.constant 16 : i32
      %mul3A_132 = arith.muli %scan3A_130, %mul3A_131 : i32
      %get3A_133 = arith.index_cast %mul3A_132 : i32 to index
      %get3A_134 = tpu.vector_load %arg8[%get3A_133] {strides = array<i32>} : memref<8192xi32, #tpu.memory_space<vmem>>, vector<16xi32>,
      %gather3A_135 = tpu.vector_load_idx %arg9[%get3A_134] : memref<100000xf32, #tpu.memory_space<vmem>>[vector<16xi32>], vector<16xf32>,
      %mul3A_136 = arith.constant 16 : i32
      %mul3A_137 = arith.muli %scan3A_130, %mul3A_136 : i32
      %swap3A_138 = arith.index_cast %mul3A_137 : i32 to index
      %swap3A_139 = tpu.vector_load %arg10[%swap3A_138] {strides = array<i32>} : memref<8192xf32, #tpu.memory_space<vmem>>, vector<16xf32>,
      tpu.vector_store %arg10[%swap3A_138], %gather3A_135 {strides = array<i32>} : memref<8192xf32, #tpu.memory_space<vmem>>, vector<16xf32>,
    }
    %scan3A_36 = arith.constant 512 : i32
    "tpu.region"() ({
      %run_scoped3A = tpu.sem_alloc : memref<!tpu.dma_semaphore, #tpu.memory_space<semaphore_mem>>
      %dma_start3A = arith.constant 0 : i32
      %dma_start3A_56 = tpu.memref_slice %arg7[%add3A_31, %dma_start3A] : memref<64x16384xf32, #tpu.memory_space<hbm>> -> memref<1x8192xf32, #tpu.memory_space<hbm>>
      %dma_start3A_57 = tpu.memref_squeeze %dma_start3A_56 : memref<1x8192xf32, #tpu.memory_space<hbm>> -> memref<8192xf32, #tpu.memory_space<hbm>>
      %dma_start3A_58 = arith.constant 0 : i32
      %dma_start3A_59 = tpu.memref_slice %arg7[%add3A_31, %dma_start3A_58] : memref<64x16384xf32, #tpu.memory_space<hbm>> -> memref<1x8192xf32, #tpu.memory_space<hbm>>
      %dma_start3A_60 = tpu.memref_squeeze %dma_start3A_59 : memref<1x8192xf32, #tpu.memory_space<hbm>> -> memref<8192xf32, #tpu.memory_space<hbm>>
      tpu.enqueue_dma source(%arg10 : memref<8192xf32, #tpu.memory_space<vmem>>) target(%dma_start3A_60 : memref<8192xf32, #tpu.memory_space<hbm>>) target_semaphore(%run_scoped3A : memref<!tpu.dma_semaphore, #tpu.memory_space<semaphore_mem>>)
      %dma_wait3A = arith.constant 0 : i32
      %dma_wait3A_61 = tpu.memref_slice %arg7[%add3A_31, %dma_wait3A] : memref<64x16384xf32, #tpu.memory_space<hbm>> -> memref<1x8192xf32, #tpu.memory_space<hbm>>
      %dma_wait3A_62 = tpu.memref_squeeze %dma_wait3A_61 : memref<1x8192xf32, #tpu.memory_space<hbm>> -> memref<8192xf32, #tpu.memory_space<hbm>>
      %dma_wait3A_63 = arith.constant 0 : i32
      %dma_wait3A_64 = tpu.memref_slice %arg7[%add3A_31, %dma_wait3A_63] : memref<64x16384xf32, #tpu.memory_space<hbm>> -> memref<1x8192xf32, #tpu.memory_space<hbm>>
      %dma_wait3A_65 = tpu.memref_squeeze %dma_wait3A_64 : memref<1x8192xf32, #tpu.memory_space<hbm>> -> memref<8192xf32, #tpu.memory_space<hbm>>
      tpu.wait_dma2 semaphore(%run_scoped3A : memref<!tpu.dma_semaphore, #tpu.memory_space<semaphore_mem>>) src(%arg10 : memref<8192xf32, #tpu.memory_space<vmem>>) dst(%dma_wait3A_65 : memref<8192xf32, #tpu.memory_space<hbm>>)
      tpu.yield
    }) : () -> ()
    "tpu.region"() ({
      %run_scoped3A = tpu.sem_alloc : memref<!tpu.dma_semaphore, #tpu.memory_space<semaphore_mem>>
      %dma_start3A = arith.constant 8192 : i32
      %dma_start3A_56 = tpu.memref_slice %arg5[%dma_start3A] : memref<16384xi32, #tpu.memory_space<hbm>> -> memref<8192xi32, #tpu.memory_space<hbm>>
      %dma_start3A_57 = arith.constant 8192 : i32
      %dma_start3A_58 = tpu.memref_slice %arg5[%dma_start3A_57] : memref<16384xi32, #tpu.memory_space<hbm>> -> memref<8192xi32, #tpu.memory_space<hbm>>
      tpu.enqueue_dma source(%dma_start3A_58 : memref<8192xi32, #tpu.memory_space<hbm>>) target(%arg8 : memref<8192xi32, #tpu.memory_space<vmem>>) target_semaphore(%run_scoped3A : memref<!tpu.dma_semaphore, #tpu.memory_space<semaphore_mem>>)
      %dma_wait3A = arith.constant 8192 : i32
      %dma_wait3A_59 = tpu.memref_slice %arg5[%dma_wait3A] : memref<16384xi32, #tpu.memory_space<hbm>> -> memref<8192xi32, #tpu.memory_space<hbm>>
      %dma_wait3A_60 = arith.constant 8192 : i32
      %dma_wait3A_61 = tpu.memref_slice %arg5[%dma_wait3A_60] : memref<16384xi32, #tpu.memory_space<hbm>> -> memref<8192xi32, #tpu.memory_space<hbm>>
      tpu.wait_dma2 semaphore(%run_scoped3A : memref<!tpu.dma_semaphore, #tpu.memory_space<semaphore_mem>>) src(%dma_wait3A_61 : memref<8192xi32, #tpu.memory_space<hbm>>) dst(%arg8 : memref<8192xi32, #tpu.memory_space<vmem>>)
      tpu.yield
    }) : () -> ()
    %scan3A_37 = arith.constant 0 : i32
    %scan3A_38 = arith.constant 512 : i32
    %scan3A_39 = arith.addi %scan3A_37, %scan3A_38 : i32
    %scan3A_40 = arith.constant 8 : i32
    scf.for %scan3A_56 = %scan3A_37 to %scan3A_39 step %scan3A_40  : i32 {
      %mul3A_57 = arith.constant 16 : i32
      %mul3A_58 = arith.muli %scan3A_56, %mul3A_57 : i32
      %get3A = arith.index_cast %mul3A_58 : i32 to index
      %get3A_59 = tpu.vector_load %arg8[%get3A] {strides = array<i32>} : memref<8192xi32, #tpu.memory_space<vmem>>, vector<16xi32>,
      %gather3A = tpu.vector_load_idx %arg9[%get3A_59] : memref<100000xf32, #tpu.memory_space<vmem>>[vector<16xi32>], vector<16xf32>,
      %mul3A_60 = arith.constant 16 : i32
      %mul3A_61 = arith.muli %scan3A_56, %mul3A_60 : i32
      %swap3A = arith.index_cast %mul3A_61 : i32 to index
      %swap3A_62 = tpu.vector_load %arg10[%swap3A] {strides = array<i32>} : memref<8192xf32, #tpu.memory_space<vmem>>, vector<16xf32>,
      tpu.vector_store %arg10[%swap3A], %gather3A {strides = array<i32>} : memref<8192xf32, #tpu.memory_space<vmem>>, vector<16xf32>,
      %scan3A_63 = arith.constant 1 : i32
      %scan3A_64 = arith.addi %scan3A_56, %scan3A_63 : i32
      %mul3A_65 = arith.constant 16 : i32
      %mul3A_66 = arith.muli %scan3A_64, %mul3A_65 : i32
      %get3A_67 = arith.index_cast %mul3A_66 : i32 to index
      %get3A_68 = tpu.vector_load %arg8[%get3A_67] {strides = array<i32>} : memref<8192xi32, #tpu.memory_space<vmem>>, vector<16xi32>,
      %gather3A_69 = tpu.vector_load_idx %arg9[%get3A_68] : memref<100000xf32, #tpu.memory_space<vmem>>[vector<16xi32>], vector<16xf32>,
      %mul3A_70 = arith.constant 16 : i32
      %mul3A_71 = arith.muli %scan3A_64, %mul3A_70 : i32
      %swap3A_72 = arith.index_cast %mul3A_71 : i32 to index
      %swap3A_73 = tpu.vector_load %arg10[%swap3A_72] {strides = array<i32>} : memref<8192xf32, #tpu.memory_space<vmem>>, vector<16xf32>,
      tpu.vector_store %arg10[%swap3A_72], %gather3A_69 {strides = array<i32>} : memref<8192xf32, #tpu.memory_space<vmem>>, vector<16xf32>,
      %scan3A_74 = arith.constant 2 : i32
      %scan3A_75 = arith.addi %scan3A_56, %scan3A_74 : i32
      %mul3A_76 = arith.constant 16 : i32
      %mul3A_77 = arith.muli %scan3A_75, %mul3A_76 : i32
      %get3A_78 = arith.index_cast %mul3A_77 : i32 to index
      %get3A_79 = tpu.vector_load %arg8[%get3A_78] {strides = array<i32>} : memref<8192xi32, #tpu.memory_space<vmem>>, vector<16xi32>,
      %gather3A_80 = tpu.vector_load_idx %arg9[%get3A_79] : memref<100000xf32, #tpu.memory_space<vmem>>[vector<16xi32>], vector<16xf32>,
      %mul3A_81 = arith.constant 16 : i32
      %mul3A_82 = arith.muli %scan3A_75, %mul3A_81 : i32
      %swap3A_83 = arith.index_cast %mul3A_82 : i32 to index
      %swap3A_84 = tpu.vector_load %arg10[%swap3A_83] {strides = array<i32>} : memref<8192xf32, #tpu.memory_space<vmem>>, vector<16xf32>,
      tpu.vector_store %arg10[%swap3A_83], %gather3A_80 {strides = array<i32>} : memref<8192xf32, #tpu.memory_space<vmem>>, vector<16xf32>,
      %scan3A_85 = arith.constant 3 : i32
      %scan3A_86 = arith.addi %scan3A_56, %scan3A_85 : i32
      %mul3A_87 = arith.constant 16 : i32
      %mul3A_88 = arith.muli %scan3A_86, %mul3A_87 : i32
      %get3A_89 = arith.index_cast %mul3A_88 : i32 to index
      %get3A_90 = tpu.vector_load %arg8[%get3A_89] {strides = array<i32>} : memref<8192xi32, #tpu.memory_space<vmem>>, vector<16xi32>,
      %gather3A_91 = tpu.vector_load_idx %arg9[%get3A_90] : memref<100000xf32, #tpu.memory_space<vmem>>[vector<16xi32>], vector<16xf32>,
      %mul3A_92 = arith.constant 16 : i32
      %mul3A_93 = arith.muli %scan3A_86, %mul3A_92 : i32
      %swap3A_94 = arith.index_cast %mul3A_93 : i32 to index
      %swap3A_95 = tpu.vector_load %arg10[%swap3A_94] {strides = array<i32>} : memref<8192xf32, #tpu.memory_space<vmem>>, vector<16xf32>,
      tpu.vector_store %arg10[%swap3A_94], %gather3A_91 {strides = array<i32>} : memref<8192xf32, #tpu.memory_space<vmem>>, vector<16xf32>,
      %scan3A_96 = arith.constant 4 : i32
      %scan3A_97 = arith.addi %scan3A_56, %scan3A_96 : i32
      %mul3A_98 = arith.constant 16 : i32
      %mul3A_99 = arith.muli %scan3A_97, %mul3A_98 : i32
      %get3A_100 = arith.index_cast %mul3A_99 : i32 to index
      %get3A_101 = tpu.vector_load %arg8[%get3A_100] {strides = array<i32>} : memref<8192xi32, #tpu.memory_space<vmem>>, vector<16xi32>,
      %gather3A_102 = tpu.vector_load_idx %arg9[%get3A_101] : memref<100000xf32, #tpu.memory_space<vmem>>[vector<16xi32>], vector<16xf32>,
      %mul3A_103 = arith.constant 16 : i32
      %mul3A_104 = arith.muli %scan3A_97, %mul3A_103 : i32
      %swap3A_105 = arith.index_cast %mul3A_104 : i32 to index
      %swap3A_106 = tpu.vector_load %arg10[%swap3A_105] {strides = array<i32>} : memref<8192xf32, #tpu.memory_space<vmem>>, vector<16xf32>,
      tpu.vector_store %arg10[%swap3A_105], %gather3A_102 {strides = array<i32>} : memref<8192xf32, #tpu.memory_space<vmem>>, vector<16xf32>,
      %scan3A_107 = arith.constant 5 : i32
      %scan3A_108 = arith.addi %scan3A_56, %scan3A_107 : i32
      %mul3A_109 = arith.constant 16 : i32
      %mul3A_110 = arith.muli %scan3A_108, %mul3A_109 : i32
      %get3A_111 = arith.index_cast %mul3A_110 : i32 to index
      %get3A_112 = tpu.vector_load %arg8[%get3A_111] {strides = array<i32>} : memref<8192xi32, #tpu.memory_space<vmem>>, vector<16xi32>,
      %gather3A_113 = tpu.vector_load_idx %arg9[%get3A_112] : memref<100000xf32, #tpu.memory_space<vmem>>[vector<16xi32>], vector<16xf32>,
      %mul3A_114 = arith.constant 16 : i32
      %mul3A_115 = arith.muli %scan3A_108, %mul3A_114 : i32
      %swap3A_116 = arith.index_cast %mul3A_115 : i32 to index
      %swap3A_117 = tpu.vector_load %arg10[%swap3A_116] {strides = array<i32>} : memref<8192xf32, #tpu.memory_space<vmem>>, vector<16xf32>,
      tpu.vector_store %arg10[%swap3A_116], %gather3A_113 {strides = array<i32>} : memref<8192xf32, #tpu.memory_space<vmem>>, vector<16xf32>,
      %scan3A_118 = arith.constant 6 : i32
      %scan3A_119 = arith.addi %scan3A_56, %scan3A_118 : i32
      %mul3A_120 = arith.constant 16 : i32
      %mul3A_121 = arith.muli %scan3A_119, %mul3A_120 : i32
      %get3A_122 = arith.index_cast %mul3A_121 : i32 to index
      %get3A_123 = tpu.vector_load %arg8[%get3A_122] {strides = array<i32>} : memref<8192xi32, #tpu.memory_space<vmem>>, vector<16xi32>,
      %gather3A_124 = tpu.vector_load_idx %arg9[%get3A_123] : memref<100000xf32, #tpu.memory_space<vmem>>[vector<16xi32>], vector<16xf32>,
      %mul3A_125 = arith.constant 16 : i32
      %mul3A_126 = arith.muli %scan3A_119, %mul3A_125 : i32
      %swap3A_127 = arith.index_cast %mul3A_126 : i32 to index
      %swap3A_128 = tpu.vector_load %arg10[%swap3A_127] {strides = array<i32>} : memref<8192xf32, #tpu.memory_space<vmem>>, vector<16xf32>,
      tpu.vector_store %arg10[%swap3A_127], %gather3A_124 {strides = array<i32>} : memref<8192xf32, #tpu.memory_space<vmem>>, vector<16xf32>,
      %scan3A_129 = arith.constant 7 : i32
      %scan3A_130 = arith.addi %scan3A_56, %scan3A_129 : i32
      %mul3A_131 = arith.constant 16 : i32
      %mul3A_132 = arith.muli %scan3A_130, %mul3A_131 : i32
      %get3A_133 = arith.index_cast %mul3A_132 : i32 to index
      %get3A_134 = tpu.vector_load %arg8[%get3A_133] {strides = array<i32>} : memref<8192xi32, #tpu.memory_space<vmem>>, vector<16xi32>,
      %gather3A_135 = tpu.vector_load_idx %arg9[%get3A_134] : memref<100000xf32, #tpu.memory_space<vmem>>[vector<16xi32>], vector<16xf32>,
      %mul3A_136 = arith.constant 16 : i32
      %mul3A_137 = arith.muli %scan3A_130, %mul3A_136 : i32
      %swap3A_138 = arith.index_cast %mul3A_137 : i32 to index
      %swap3A_139 = tpu.vector_load %arg10[%swap3A_138] {strides = array<i32>} : memref<8192xf32, #tpu.memory_space<vmem>>, vector<16xf32>,
      tpu.vector_store %arg10[%swap3A_138], %gather3A_135 {strides = array<i32>} : memref<8192xf32, #tpu.memory_space<vmem>>, vector<16xf32>,
    }
    %scan3A_41 = arith.constant 512 : i32
    "tpu.region"() ({
      %run_scoped3A = tpu.sem_alloc : memref<!tpu.dma_semaphore, #tpu.memory_space<semaphore_mem>>
      %dma_start3A = arith.constant 8192 : i32
      %dma_start3A_56 = tpu.memref_slice %arg7[%add3A_31, %dma_start3A] : memref<64x16384xf32, #tpu.memory_space<hbm>> -> memref<1x8192xf32, #tpu.memory_space<hbm>>
      %dma_start3A_57 = tpu.memref_squeeze %dma_start3A_56 : memref<1x8192xf32, #tpu.memory_space<hbm>> -> memref<8192xf32, #tpu.memory_space<hbm>>
      %dma_start3A_58 = arith.constant 8192 : i32
      %dma_start3A_59 = tpu.memref_slice %arg7[%add3A_31, %dma_start3A_58] : memref<64x16384xf32, #tpu.memory_space<hbm>> -> memref<1x8192xf32, #tpu.memory_space<hbm>>
      %dma_start3A_60 = tpu.memref_squeeze %dma_start3A_59 : memref<1x8192xf32, #tpu.memory_space<hbm>> -> memref<8192xf32, #tpu.memory_space<hbm>>
      tpu.enqueue_dma source(%arg10 : memref<8192xf32, #tpu.memory_space<vmem>>) target(%dma_start3A_60 : memref<8192xf32, #tpu.memory_space<hbm>>) target_semaphore(%run_scoped3A : memref<!tpu.dma_semaphore, #tpu.memory_space<semaphore_mem>>)
      %dma_wait3A = arith.constant 8192 : i32
      %dma_wait3A_61 = tpu.memref_slice %arg7[%add3A_31, %dma_wait3A] : memref<64x16384xf32, #tpu.memory_space<hbm>> -> memref<1x8192xf32, #tpu.memory_space<hbm>>
      %dma_wait3A_62 = tpu.memref_squeeze %dma_wait3A_61 : memref<1x8192xf32, #tpu.memory_space<hbm>> -> memref<8192xf32, #tpu.memory_space<hbm>>
      %dma_wait3A_63 = arith.constant 8192 : i32
      %dma_wait3A_64 = tpu.memref_slice %arg7[%add3A_31, %dma_wait3A_63] : memref<64x16384xf32, #tpu.memory_space<hbm>> -> memref<1x8192xf32, #tpu.memory_space<hbm>>
      %dma_wait3A_65 = tpu.memref_squeeze %dma_wait3A_64 : memref<1x8192xf32, #tpu.memory_space<hbm>> -> memref<8192xf32, #tpu.memory_space<hbm>>
      tpu.wait_dma2 semaphore(%run_scoped3A : memref<!tpu.dma_semaphore, #tpu.memory_space<semaphore_mem>>) src(%arg10 : memref<8192xf32, #tpu.memory_space<vmem>>) dst(%dma_wait3A_65 : memref<8192xf32, #tpu.memory_space<hbm>>)
      tpu.yield
    }) : () -> ()
    %mul3A_42 = arith.constant 2 : i32
    %mul3A_43 = arith.muli %add3A, %mul3A_42 : i32
    %add3A_44 = arith.constant 1 : i32
    %add3A_45 = arith.addi %mul3A_43, %add3A_44 : i32
    "tpu.region"() ({
      %run_scoped3A = tpu.sem_alloc : memref<!tpu.dma_semaphore, #tpu.memory_space<semaphore_mem>>
      %dma_start3A = arith.constant 0 : i32
      %dma_start3A_56 = tpu.memref_slice %arg3[%add3A_45, %dma_start3A] : memref<64x100000xf32, #tpu.memory_space<hbm>> -> memref<1x100000xf32, #tpu.memory_space<hbm>>
      %dma_start3A_57 = tpu.memref_squeeze %dma_start3A_56 : memref<1x100000xf32, #tpu.memory_space<hbm>> -> memref<100000xf32, #tpu.memory_space<hbm>>
      %dma_start3A_58 = arith.constant 0 : i32
      %dma_start3A_59 = tpu.memref_slice %arg3[%add3A_45, %dma_start3A_58] : memref<64x100000xf32, #tpu.memory_space<hbm>> -> memref<1x100000xf32, #tpu.memory_space<hbm>>
      %dma_start3A_60 = tpu.memref_squeeze %dma_start3A_59 : memref<1x100000xf32, #tpu.memory_space<hbm>> -> memref<100000xf32, #tpu.memory_space<hbm>>
      tpu.enqueue_dma source(%dma_start3A_60 : memref<100000xf32, #tpu.memory_space<hbm>>) target(%arg9 : memref<100000xf32, #tpu.memory_space<vmem>>) target_semaphore(%run_scoped3A : memref<!tpu.dma_semaphore, #tpu.memory_space<semaphore_mem>>)
      %dma_wait3A = arith.constant 0 : i32
      %dma_wait3A_61 = tpu.memref_slice %arg3[%add3A_45, %dma_wait3A] : memref<64x100000xf32, #tpu.memory_space<hbm>> -> memref<1x100000xf32, #tpu.memory_space<hbm>>
      %dma_wait3A_62 = tpu.memref_squeeze %dma_wait3A_61 : memref<1x100000xf32, #tpu.memory_space<hbm>> -> memref<100000xf32, #tpu.memory_space<hbm>>
      %dma_wait3A_63 = arith.constant 0 : i32
      %dma_wait3A_64 = tpu.memref_slice %arg3[%add3A_45, %dma_wait3A_63] : memref<64x100000xf32, #tpu.memory_space<hbm>> -> memref<1x100000xf32, #tpu.memory_space<hbm>>
      %dma_wait3A_65 = tpu.memref_squeeze %dma_wait3A_64 : memref<1x100000xf32, #tpu.memory_space<hbm>> -> memref<100000xf32, #tpu.memory_space<hbm>>
      tpu.wait_dma2 semaphore(%run_scoped3A : memref<!tpu.dma_semaphore, #tpu.memory_space<semaphore_mem>>) src(%dma_wait3A_65 : memref<100000xf32, #tpu.memory_space<hbm>>) dst(%arg9 : memref<100000xf32, #tpu.memory_space<vmem>>)
      tpu.yield
    }) : () -> ()
    "tpu.region"() ({
      %run_scoped3A = tpu.sem_alloc : memref<!tpu.dma_semaphore, #tpu.memory_space<semaphore_mem>>
      %dma_start3A = arith.constant 0 : i32
      %dma_start3A_56 = tpu.memref_slice %arg5[%dma_start3A] : memref<16384xi32, #tpu.memory_space<hbm>> -> memref<8192xi32, #tpu.memory_space<hbm>>
      %dma_start3A_57 = arith.constant 0 : i32
      %dma_start3A_58 = tpu.memref_slice %arg5[%dma_start3A_57] : memref<16384xi32, #tpu.memory_space<hbm>> -> memref<8192xi32, #tpu.memory_space<hbm>>
      tpu.enqueue_dma source(%dma_start3A_58 : memref<8192xi32, #tpu.memory_space<hbm>>) target(%arg8 : memref<8192xi32, #tpu.memory_space<vmem>>) target_semaphore(%run_scoped3A : memref<!tpu.dma_semaphore, #tpu.memory_space<semaphore_mem>>)
      %dma_wait3A = arith.constant 0 : i32
      %dma_wait3A_59 = tpu.memref_slice %arg5[%dma_wait3A] : memref<16384xi32, #tpu.memory_space<hbm>> -> memref<8192xi32, #tpu.memory_space<hbm>>
      %dma_wait3A_60 = arith.constant 0 : i32
      %dma_wait3A_61 = tpu.memref_slice %arg5[%dma_wait3A_60] : memref<16384xi32, #tpu.memory_space<hbm>> -> memref<8192xi32, #tpu.memory_space<hbm>>
      tpu.wait_dma2 semaphore(%run_scoped3A : memref<!tpu.dma_semaphore, #tpu.memory_space<semaphore_mem>>) src(%dma_wait3A_61 : memref<8192xi32, #tpu.memory_space<hbm>>) dst(%arg8 : memref<8192xi32, #tpu.memory_space<vmem>>)
      tpu.yield
    }) : () -> ()
    %scan3A_46 = arith.constant 0 : i32
    %scan3A_47 = arith.constant 512 : i32
    %scan3A_48 = arith.addi %scan3A_46, %scan3A_47 : i32
    %scan3A_49 = arith.constant 8 : i32
    scf.for %scan3A_56 = %scan3A_46 to %scan3A_48 step %scan3A_49  : i32 {
      %mul3A_57 = arith.constant 16 : i32
      %mul3A_58 = arith.muli %scan3A_56, %mul3A_57 : i32
      %get3A = arith.index_cast %mul3A_58 : i32 to index
      %get3A_59 = tpu.vector_load %arg8[%get3A] {strides = array<i32>} : memref<8192xi32, #tpu.memory_space<vmem>>, vector<16xi32>,
      %gather3A = tpu.vector_load_idx %arg9[%get3A_59] : memref<100000xf32, #tpu.memory_space<vmem>>[vector<16xi32>], vector<16xf32>,
      %mul3A_60 = arith.constant 16 : i32
      %mul3A_61 = arith.muli %scan3A_56, %mul3A_60 : i32
      %swap3A = arith.index_cast %mul3A_61 : i32 to index
      %swap3A_62 = tpu.vector_load %arg10[%swap3A] {strides = array<i32>} : memref<8192xf32, #tpu.memory_space<vmem>>, vector<16xf32>,
      tpu.vector_store %arg10[%swap3A], %gather3A {strides = array<i32>} : memref<8192xf32, #tpu.memory_space<vmem>>, vector<16xf32>,
      %scan3A_63 = arith.constant 1 : i32
      %scan3A_64 = arith.addi %scan3A_56, %scan3A_63 : i32
      %mul3A_65 = arith.constant 16 : i32
      %mul3A_66 = arith.muli %scan3A_64, %mul3A_65 : i32
      %get3A_67 = arith.index_cast %mul3A_66 : i32 to index
      %get3A_68 = tpu.vector_load %arg8[%get3A_67] {strides = array<i32>} : memref<8192xi32, #tpu.memory_space<vmem>>, vector<16xi32>,
      %gather3A_69 = tpu.vector_load_idx %arg9[%get3A_68] : memref<100000xf32, #tpu.memory_space<vmem>>[vector<16xi32>], vector<16xf32>,
      %mul3A_70 = arith.constant 16 : i32
      %mul3A_71 = arith.muli %scan3A_64, %mul3A_70 : i32
      %swap3A_72 = arith.index_cast %mul3A_71 : i32 to index
      %swap3A_73 = tpu.vector_load %arg10[%swap3A_72] {strides = array<i32>} : memref<8192xf32, #tpu.memory_space<vmem>>, vector<16xf32>,
      tpu.vector_store %arg10[%swap3A_72], %gather3A_69 {strides = array<i32>} : memref<8192xf32, #tpu.memory_space<vmem>>, vector<16xf32>,
      %scan3A_74 = arith.constant 2 : i32
      %scan3A_75 = arith.addi %scan3A_56, %scan3A_74 : i32
      %mul3A_76 = arith.constant 16 : i32
      %mul3A_77 = arith.muli %scan3A_75, %mul3A_76 : i32
      %get3A_78 = arith.index_cast %mul3A_77 : i32 to index
      %get3A_79 = tpu.vector_load %arg8[%get3A_78] {strides = array<i32>} : memref<8192xi32, #tpu.memory_space<vmem>>, vector<16xi32>,
      %gather3A_80 = tpu.vector_load_idx %arg9[%get3A_79] : memref<100000xf32, #tpu.memory_space<vmem>>[vector<16xi32>], vector<16xf32>,
      %mul3A_81 = arith.constant 16 : i32
      %mul3A_82 = arith.muli %scan3A_75, %mul3A_81 : i32
      %swap3A_83 = arith.index_cast %mul3A_82 : i32 to index
      %swap3A_84 = tpu.vector_load %arg10[%swap3A_83] {strides = array<i32>} : memref<8192xf32, #tpu.memory_space<vmem>>, vector<16xf32>,
      tpu.vector_store %arg10[%swap3A_83], %gather3A_80 {strides = array<i32>} : memref<8192xf32, #tpu.memory_space<vmem>>, vector<16xf32>,
      %scan3A_85 = arith.constant 3 : i32
      %scan3A_86 = arith.addi %scan3A_56, %scan3A_85 : i32
      %mul3A_87 = arith.constant 16 : i32
      %mul3A_88 = arith.muli %scan3A_86, %mul3A_87 : i32
      %get3A_89 = arith.index_cast %mul3A_88 : i32 to index
      %get3A_90 = tpu.vector_load %arg8[%get3A_89] {strides = array<i32>} : memref<8192xi32, #tpu.memory_space<vmem>>, vector<16xi32>,
      %gather3A_91 = tpu.vector_load_idx %arg9[%get3A_90] : memref<100000xf32, #tpu.memory_space<vmem>>[vector<16xi32>], vector<16xf32>,
      %mul3A_92 = arith.constant 16 : i32
      %mul3A_93 = arith.muli %scan3A_86, %mul3A_92 : i32
      %swap3A_94 = arith.index_cast %mul3A_93 : i32 to index
      %swap3A_95 = tpu.vector_load %arg10[%swap3A_94] {strides = array<i32>} : memref<8192xf32, #tpu.memory_space<vmem>>, vector<16xf32>,
      tpu.vector_store %arg10[%swap3A_94], %gather3A_91 {strides = array<i32>} : memref<8192xf32, #tpu.memory_space<vmem>>, vector<16xf32>,
      %scan3A_96 = arith.constant 4 : i32
      %scan3A_97 = arith.addi %scan3A_56, %scan3A_96 : i32
      %mul3A_98 = arith.constant 16 : i32
      %mul3A_99 = arith.muli %scan3A_97, %mul3A_98 : i32
      %get3A_100 = arith.index_cast %mul3A_99 : i32 to index
      %get3A_101 = tpu.vector_load %arg8[%get3A_100] {strides = array<i32>} : memref<8192xi32, #tpu.memory_space<vmem>>, vector<16xi32>,
      %gather3A_102 = tpu.vector_load_idx %arg9[%get3A_101] : memref<100000xf32, #tpu.memory_space<vmem>>[vector<16xi32>], vector<16xf32>,
      %mul3A_103 = arith.constant 16 : i32
      %mul3A_104 = arith.muli %scan3A_97, %mul3A_103 : i32
      %swap3A_105 = arith.index_cast %mul3A_104 : i32 to index
      %swap3A_106 = tpu.vector_load %arg10[%swap3A_105] {strides = array<i32>} : memref<8192xf32, #tpu.memory_space<vmem>>, vector<16xf32>,
      tpu.vector_store %arg10[%swap3A_105], %gather3A_102 {strides = array<i32>} : memref<8192xf32, #tpu.memory_space<vmem>>, vector<16xf32>,
      %scan3A_107 = arith.constant 5 : i32
      %scan3A_108 = arith.addi %scan3A_56, %scan3A_107 : i32
      %mul3A_109 = arith.constant 16 : i32
      %mul3A_110 = arith.muli %scan3A_108, %mul3A_109 : i32
      %get3A_111 = arith.index_cast %mul3A_110 : i32 to index
      %get3A_112 = tpu.vector_load %arg8[%get3A_111] {strides = array<i32>} : memref<8192xi32, #tpu.memory_space<vmem>>, vector<16xi32>,
      %gather3A_113 = tpu.vector_load_idx %arg9[%get3A_112] : memref<100000xf32, #tpu.memory_space<vmem>>[vector<16xi32>], vector<16xf32>,
      %mul3A_114 = arith.constant 16 : i32
      %mul3A_115 = arith.muli %scan3A_108, %mul3A_114 : i32
      %swap3A_116 = arith.index_cast %mul3A_115 : i32 to index
      %swap3A_117 = tpu.vector_load %arg10[%swap3A_116] {strides = array<i32>} : memref<8192xf32, #tpu.memory_space<vmem>>, vector<16xf32>,
      tpu.vector_store %arg10[%swap3A_116], %gather3A_113 {strides = array<i32>} : memref<8192xf32, #tpu.memory_space<vmem>>, vector<16xf32>,
      %scan3A_118 = arith.constant 6 : i32
      %scan3A_119 = arith.addi %scan3A_56, %scan3A_118 : i32
      %mul3A_120 = arith.constant 16 : i32
      %mul3A_121 = arith.muli %scan3A_119, %mul3A_120 : i32
      %get3A_122 = arith.index_cast %mul3A_121 : i32 to index
      %get3A_123 = tpu.vector_load %arg8[%get3A_122] {strides = array<i32>} : memref<8192xi32, #tpu.memory_space<vmem>>, vector<16xi32>,
      %gather3A_124 = tpu.vector_load_idx %arg9[%get3A_123] : memref<100000xf32, #tpu.memory_space<vmem>>[vector<16xi32>], vector<16xf32>,
      %mul3A_125 = arith.constant 16 : i32
      %mul3A_126 = arith.muli %scan3A_119, %mul3A_125 : i32
      %swap3A_127 = arith.index_cast %mul3A_126 : i32 to index
      %swap3A_128 = tpu.vector_load %arg10[%swap3A_127] {strides = array<i32>} : memref<8192xf32, #tpu.memory_space<vmem>>, vector<16xf32>,
      tpu.vector_store %arg10[%swap3A_127], %gather3A_124 {strides = array<i32>} : memref<8192xf32, #tpu.memory_space<vmem>>, vector<16xf32>,
      %scan3A_129 = arith.constant 7 : i32
      %scan3A_130 = arith.addi %scan3A_56, %scan3A_129 : i32
      %mul3A_131 = arith.constant 16 : i32
      %mul3A_132 = arith.muli %scan3A_130, %mul3A_131 : i32
      %get3A_133 = arith.index_cast %mul3A_132 : i32 to index
      %get3A_134 = tpu.vector_load %arg8[%get3A_133] {strides = array<i32>} : memref<8192xi32, #tpu.memory_space<vmem>>, vector<16xi32>,
      %gather3A_135 = tpu.vector_load_idx %arg9[%get3A_134] : memref<100000xf32, #tpu.memory_space<vmem>>[vector<16xi32>], vector<16xf32>,
      %mul3A_136 = arith.constant 16 : i32
      %mul3A_137 = arith.muli %scan3A_130, %mul3A_136 : i32
      %swap3A_138 = arith.index_cast %mul3A_137 : i32 to index
      %swap3A_139 = tpu.vector_load %arg10[%swap3A_138] {strides = array<i32>} : memref<8192xf32, #tpu.memory_space<vmem>>, vector<16xf32>,
      tpu.vector_store %arg10[%swap3A_138], %gather3A_135 {strides = array<i32>} : memref<8192xf32, #tpu.memory_space<vmem>>, vector<16xf32>,
    }
    %scan3A_50 = arith.constant 512 : i32
    "tpu.region"() ({
      %run_scoped3A = tpu.sem_alloc : memref<!tpu.dma_semaphore, #tpu.memory_space<semaphore_mem>>
      %dma_start3A = arith.constant 0 : i32
      %dma_start3A_56 = tpu.memref_slice %arg7[%add3A_45, %dma_start3A] : memref<64x16384xf32, #tpu.memory_space<hbm>> -> memref<1x8192xf32, #tpu.memory_space<hbm>>
      %dma_start3A_57 = tpu.memref_squeeze %dma_start3A_56 : memref<1x8192xf32, #tpu.memory_space<hbm>> -> memref<8192xf32, #tpu.memory_space<hbm>>
      %dma_start3A_58 = arith.constant 0 : i32
      %dma_start3A_59 = tpu.memref_slice %arg7[%add3A_45, %dma_start3A_58] : memref<64x16384xf32, #tpu.memory_space<hbm>> -> memref<1x8192xf32, #tpu.memory_space<hbm>>
      %dma_start3A_60 = tpu.memref_squeeze %dma_start3A_59 : memref<1x8192xf32, #tpu.memory_space<hbm>> -> memref<8192xf32, #tpu.memory_space<hbm>>
      tpu.enqueue_dma source(%arg10 : memref<8192xf32, #tpu.memory_space<vmem>>) target(%dma_start3A_60 : memref<8192xf32, #tpu.memory_space<hbm>>) target_semaphore(%run_scoped3A : memref<!tpu.dma_semaphore, #tpu.memory_space<semaphore_mem>>)
      %dma_wait3A = arith.constant 0 : i32
      %dma_wait3A_61 = tpu.memref_slice %arg7[%add3A_45, %dma_wait3A] : memref<64x16384xf32, #tpu.memory_space<hbm>> -> memref<1x8192xf32, #tpu.memory_space<hbm>>
      %dma_wait3A_62 = tpu.memref_squeeze %dma_wait3A_61 : memref<1x8192xf32, #tpu.memory_space<hbm>> -> memref<8192xf32, #tpu.memory_space<hbm>>
      %dma_wait3A_63 = arith.constant 0 : i32
      %dma_wait3A_64 = tpu.memref_slice %arg7[%add3A_45, %dma_wait3A_63] : memref<64x16384xf32, #tpu.memory_space<hbm>> -> memref<1x8192xf32, #tpu.memory_space<hbm>>
      %dma_wait3A_65 = tpu.memref_squeeze %dma_wait3A_64 : memref<1x8192xf32, #tpu.memory_space<hbm>> -> memref<8192xf32, #tpu.memory_space<hbm>>
      tpu.wait_dma2 semaphore(%run_scoped3A : memref<!tpu.dma_semaphore, #tpu.memory_space<semaphore_mem>>) src(%arg10 : memref<8192xf32, #tpu.memory_space<vmem>>) dst(%dma_wait3A_65 : memref<8192xf32, #tpu.memory_space<hbm>>)
      tpu.yield
    }) : () -> ()
    "tpu.region"() ({
      %run_scoped3A = tpu.sem_alloc : memref<!tpu.dma_semaphore, #tpu.memory_space<semaphore_mem>>
      %dma_start3A = arith.constant 8192 : i32
      %dma_start3A_56 = tpu.memref_slice %arg5[%dma_start3A] : memref<16384xi32, #tpu.memory_space<hbm>> -> memref<8192xi32, #tpu.memory_space<hbm>>
      %dma_start3A_57 = arith.constant 8192 : i32
      %dma_start3A_58 = tpu.memref_slice %arg5[%dma_start3A_57] : memref<16384xi32, #tpu.memory_space<hbm>> -> memref<8192xi32, #tpu.memory_space<hbm>>
      tpu.enqueue_dma source(%dma_start3A_58 : memref<8192xi32, #tpu.memory_space<hbm>>) target(%arg8 : memref<8192xi32, #tpu.memory_space<vmem>>) target_semaphore(%run_scoped3A : memref<!tpu.dma_semaphore, #tpu.memory_space<semaphore_mem>>)
      %dma_wait3A = arith.constant 8192 : i32
      %dma_wait3A_59 = tpu.memref_slice %arg5[%dma_wait3A] : memref<16384xi32, #tpu.memory_space<hbm>> -> memref<8192xi32, #tpu.memory_space<hbm>>
      %dma_wait3A_60 = arith.constant 8192 : i32
      %dma_wait3A_61 = tpu.memref_slice %arg5[%dma_wait3A_60] : memref<16384xi32, #tpu.memory_space<hbm>> -> memref<8192xi32, #tpu.memory_space<hbm>>
      tpu.wait_dma2 semaphore(%run_scoped3A : memref<!tpu.dma_semaphore, #tpu.memory_space<semaphore_mem>>) src(%dma_wait3A_61 : memref<8192xi32, #tpu.memory_space<hbm>>) dst(%arg8 : memref<8192xi32, #tpu.memory_space<vmem>>)
      tpu.yield
    }) : () -> ()
    %scan3A_51 = arith.constant 0 : i32
    %scan3A_52 = arith.constant 512 : i32
    %scan3A_53 = arith.addi %scan3A_51, %scan3A_52 : i32
    %scan3A_54 = arith.constant 8 : i32
    scf.for %scan3A_56 = %scan3A_51 to %scan3A_53 step %scan3A_54  : i32 {
      %mul3A_57 = arith.constant 16 : i32
      %mul3A_58 = arith.muli %scan3A_56, %mul3A_57 : i32
      %get3A = arith.index_cast %mul3A_58 : i32 to index
      %get3A_59 = tpu.vector_load %arg8[%get3A] {strides = array<i32>} : memref<8192xi32, #tpu.memory_space<vmem>>, vector<16xi32>,
      %gather3A = tpu.vector_load_idx %arg9[%get3A_59] : memref<100000xf32, #tpu.memory_space<vmem>>[vector<16xi32>], vector<16xf32>,
      %mul3A_60 = arith.constant 16 : i32
      %mul3A_61 = arith.muli %scan3A_56, %mul3A_60 : i32
      %swap3A = arith.index_cast %mul3A_61 : i32 to index
      %swap3A_62 = tpu.vector_load %arg10[%swap3A] {strides = array<i32>} : memref<8192xf32, #tpu.memory_space<vmem>>, vector<16xf32>,
      tpu.vector_store %arg10[%swap3A], %gather3A {strides = array<i32>} : memref<8192xf32, #tpu.memory_space<vmem>>, vector<16xf32>,
      %scan3A_63 = arith.constant 1 : i32
      %scan3A_64 = arith.addi %scan3A_56, %scan3A_63 : i32
      %mul3A_65 = arith.constant 16 : i32
      %mul3A_66 = arith.muli %scan3A_64, %mul3A_65 : i32
      %get3A_67 = arith.index_cast %mul3A_66 : i32 to index
      %get3A_68 = tpu.vector_load %arg8[%get3A_67] {strides = array<i32>} : memref<8192xi32, #tpu.memory_space<vmem>>, vector<16xi32>,
      %gather3A_69 = tpu.vector_load_idx %arg9[%get3A_68] : memref<100000xf32, #tpu.memory_space<vmem>>[vector<16xi32>], vector<16xf32>,
      %mul3A_70 = arith.constant 16 : i32
      %mul3A_71 = arith.muli %scan3A_64, %mul3A_70 : i32
      %swap3A_72 = arith.index_cast %mul3A_71 : i32 to index
      %swap3A_73 = tpu.vector_load %arg10[%swap3A_72] {strides = array<i32>} : memref<8192xf32, #tpu.memory_space<vmem>>, vector<16xf32>,
      tpu.vector_store %arg10[%swap3A_72], %gather3A_69 {strides = array<i32>} : memref<8192xf32, #tpu.memory_space<vmem>>, vector<16xf32>,
      %scan3A_74 = arith.constant 2 : i32
      %scan3A_75 = arith.addi %scan3A_56, %scan3A_74 : i32
      %mul3A_76 = arith.constant 16 : i32
      %mul3A_77 = arith.muli %scan3A_75, %mul3A_76 : i32
      %get3A_78 = arith.index_cast %mul3A_77 : i32 to index
      %get3A_79 = tpu.vector_load %arg8[%get3A_78] {strides = array<i32>} : memref<8192xi32, #tpu.memory_space<vmem>>, vector<16xi32>,
      %gather3A_80 = tpu.vector_load_idx %arg9[%get3A_79] : memref<100000xf32, #tpu.memory_space<vmem>>[vector<16xi32>], vector<16xf32>,
      %mul3A_81 = arith.constant 16 : i32
      %mul3A_82 = arith.muli %scan3A_75, %mul3A_81 : i32
      %swap3A_83 = arith.index_cast %mul3A_82 : i32 to index
      %swap3A_84 = tpu.vector_load %arg10[%swap3A_83] {strides = array<i32>} : memref<8192xf32, #tpu.memory_space<vmem>>, vector<16xf32>,
      tpu.vector_store %arg10[%swap3A_83], %gather3A_80 {strides = array<i32>} : memref<8192xf32, #tpu.memory_space<vmem>>, vector<16xf32>,
      %scan3A_85 = arith.constant 3 : i32
      %scan3A_86 = arith.addi %scan3A_56, %scan3A_85 : i32
      %mul3A_87 = arith.constant 16 : i32
      %mul3A_88 = arith.muli %scan3A_86, %mul3A_87 : i32
      %get3A_89 = arith.index_cast %mul3A_88 : i32 to index
      %get3A_90 = tpu.vector_load %arg8[%get3A_89] {strides = array<i32>} : memref<8192xi32, #tpu.memory_space<vmem>>, vector<16xi32>,
      %gather3A_91 = tpu.vector_load_idx %arg9[%get3A_90] : memref<100000xf32, #tpu.memory_space<vmem>>[vector<16xi32>], vector<16xf32>,
      %mul3A_92 = arith.constant 16 : i32
      %mul3A_93 = arith.muli %scan3A_86, %mul3A_92 : i32
      %swap3A_94 = arith.index_cast %mul3A_93 : i32 to index
      %swap3A_95 = tpu.vector_load %arg10[%swap3A_94] {strides = array<i32>} : memref<8192xf32, #tpu.memory_space<vmem>>, vector<16xf32>,
      tpu.vector_store %arg10[%swap3A_94], %gather3A_91 {strides = array<i32>} : memref<8192xf32, #tpu.memory_space<vmem>>, vector<16xf32>,
      %scan3A_96 = arith.constant 4 : i32
      %scan3A_97 = arith.addi %scan3A_56, %scan3A_96 : i32
      %mul3A_98 = arith.constant 16 : i32
      %mul3A_99 = arith.muli %scan3A_97, %mul3A_98 : i32
      %get3A_100 = arith.index_cast %mul3A_99 : i32 to index
      %get3A_101 = tpu.vector_load %arg8[%get3A_100] {strides = array<i32>} : memref<8192xi32, #tpu.memory_space<vmem>>, vector<16xi32>,
      %gather3A_102 = tpu.vector_load_idx %arg9[%get3A_101] : memref<100000xf32, #tpu.memory_space<vmem>>[vector<16xi32>], vector<16xf32>,
      %mul3A_103 = arith.constant 16 : i32
      %mul3A_104 = arith.muli %scan3A_97, %mul3A_103 : i32
      %swap3A_105 = arith.index_cast %mul3A_104 : i32 to index
      %swap3A_106 = tpu.vector_load %arg10[%swap3A_105] {strides = array<i32>} : memref<8192xf32, #tpu.memory_space<vmem>>, vector<16xf32>,
      tpu.vector_store %arg10[%swap3A_105], %gather3A_102 {strides = array<i32>} : memref<8192xf32, #tpu.memory_space<vmem>>, vector<16xf32>,
      %scan3A_107 = arith.constant 5 : i32
      %scan3A_108 = arith.addi %scan3A_56, %scan3A_107 : i32
      %mul3A_109 = arith.constant 16 : i32
      %mul3A_110 = arith.muli %scan3A_108, %mul3A_109 : i32
      %get3A_111 = arith.index_cast %mul3A_110 : i32 to index
      %get3A_112 = tpu.vector_load %arg8[%get3A_111] {strides = array<i32>} : memref<8192xi32, #tpu.memory_space<vmem>>, vector<16xi32>,
      %gather3A_113 = tpu.vector_load_idx %arg9[%get3A_112] : memref<100000xf32, #tpu.memory_space<vmem>>[vector<16xi32>], vector<16xf32>,
      %mul3A_114 = arith.constant 16 : i32
      %mul3A_115 = arith.muli %scan3A_108, %mul3A_114 : i32
      %swap3A_116 = arith.index_cast %mul3A_115 : i32 to index
      %swap3A_117 = tpu.vector_load %arg10[%swap3A_116] {strides = array<i32>} : memref<8192xf32, #tpu.memory_space<vmem>>, vector<16xf32>,
      tpu.vector_store %arg10[%swap3A_116], %gather3A_113 {strides = array<i32>} : memref<8192xf32, #tpu.memory_space<vmem>>, vector<16xf32>,
      %scan3A_118 = arith.constant 6 : i32
      %scan3A_119 = arith.addi %scan3A_56, %scan3A_118 : i32
      %mul3A_120 = arith.constant 16 : i32
      %mul3A_121 = arith.muli %scan3A_119, %mul3A_120 : i32
      %get3A_122 = arith.index_cast %mul3A_121 : i32 to index
      %get3A_123 = tpu.vector_load %arg8[%get3A_122] {strides = array<i32>} : memref<8192xi32, #tpu.memory_space<vmem>>, vector<16xi32>,
      %gather3A_124 = tpu.vector_load_idx %arg9[%get3A_123] : memref<100000xf32, #tpu.memory_space<vmem>>[vector<16xi32>], vector<16xf32>,
      %mul3A_125 = arith.constant 16 : i32
      %mul3A_126 = arith.muli %scan3A_119, %mul3A_125 : i32
      %swap3A_127 = arith.index_cast %mul3A_126 : i32 to index
      %swap3A_128 = tpu.vector_load %arg10[%swap3A_127] {strides = array<i32>} : memref<8192xf32, #tpu.memory_space<vmem>>, vector<16xf32>,
      tpu.vector_store %arg10[%swap3A_127], %gather3A_124 {strides = array<i32>} : memref<8192xf32, #tpu.memory_space<vmem>>, vector<16xf32>,
      %scan3A_129 = arith.constant 7 : i32
      %scan3A_130 = arith.addi %scan3A_56, %scan3A_129 : i32
      %mul3A_131 = arith.constant 16 : i32
      %mul3A_132 = arith.muli %scan3A_130, %mul3A_131 : i32
      %get3A_133 = arith.index_cast %mul3A_132 : i32 to index
      %get3A_134 = tpu.vector_load %arg8[%get3A_133] {strides = array<i32>} : memref<8192xi32, #tpu.memory_space<vmem>>, vector<16xi32>,
      %gather3A_135 = tpu.vector_load_idx %arg9[%get3A_134] : memref<100000xf32, #tpu.memory_space<vmem>>[vector<16xi32>], vector<16xf32>,
      %mul3A_136 = arith.constant 16 : i32
      %mul3A_137 = arith.muli %scan3A_130, %mul3A_136 : i32
      %swap3A_138 = arith.index_cast %mul3A_137 : i32 to index
      %swap3A_139 = tpu.vector_load %arg10[%swap3A_138] {strides = array<i32>} : memref<8192xf32, #tpu.memory_space<vmem>>, vector<16xf32>,
      tpu.vector_store %arg10[%swap3A_138], %gather3A_135 {strides = array<i32>} : memref<8192xf32, #tpu.memory_space<vmem>>, vector<16xf32>,
    }
    %scan3A_55 = arith.constant 512 : i32
    "tpu.region"() ({
      %run_scoped3A = tpu.sem_alloc : memref<!tpu.dma_semaphore, #tpu.memory_space<semaphore_mem>>
      %dma_start3A = arith.constant 8192 : i32
      %dma_start3A_56 = tpu.memref_slice %arg7[%add3A_45, %dma_start3A] : memref<64x16384xf32, #tpu.memory_space<hbm>> -> memref<1x8192xf32, #tpu.memory_space<hbm>>
      %dma_start3A_57 = tpu.memref_squeeze %dma_start3A_56 : memref<1x8192xf32, #tpu.memory_space<hbm>> -> memref<8192xf32, #tpu.memory_space<hbm>>
      %dma_start3A_58 = arith.constant 8192 : i32
      %dma_start3A_59 = tpu.memref_slice %arg7[%add3A_45, %dma_start3A_58] : memref<64x16384xf32, #tpu.memory_space<hbm>> -> memref<1x8192xf32, #tpu.memory_space<hbm>>
      %dma_start3A_60 = tpu.memref_squeeze %dma_start3A_59 : memref<1x8192xf32, #tpu.memory_space<hbm>> -> memref<8192xf32, #tpu.memory_space<hbm>>
      tpu.enqueue_dma source(%arg10 : memref<8192xf32, #tpu.memory_space<vmem>>) target(%dma_start3A_60 : memref<8192xf32, #tpu.memory_space<hbm>>) target_semaphore(%run_scoped3A : memref<!tpu.dma_semaphore, #tpu.memory_space<semaphore_mem>>)
      %dma_wait3A = arith.constant 8192 : i32
      %dma_wait3A_61 = tpu.memref_slice %arg7[%add3A_45, %dma_wait3A] : memref<64x16384xf32, #tpu.memory_space<hbm>> -> memref<1x8192xf32, #tpu.memory_space<hbm>>
      %dma_wait3A_62 = tpu.memref_squeeze %dma_wait3A_61 : memref<1x8192xf32, #tpu.memory_space<hbm>> -> memref<8192xf32, #tpu.memory_space<hbm>>
      %dma_wait3A_63 = arith.constant 8192 : i32
      %dma_wait3A_64 = tpu.memref_slice %arg7[%add3A_45, %dma_wait3A_63] : memref<64x16384xf32, #tpu.memory_space<hbm>> -> memref<1x8192xf32, #tpu.memory_space<hbm>>
      %dma_wait3A_65 = tpu.memref_squeeze %dma_wait3A_64 : memref<1x8192xf32, #tpu.memory_space<hbm>> -> memref<8192xf32, #tpu.memory_space<hbm>>
      tpu.wait_dma2 semaphore(%run_scoped3A : memref<!tpu.dma_semaphore, #tpu.memory_space<semaphore_mem>>) src(%arg10 : memref<8192xf32, #tpu.memory_space<vmem>>) dst(%dma_wait3A_65 : memref<8192xf32, #tpu.memory_space<hbm>>)
      tpu.yield
    }) : () -> ()
    return
  }
}

</mosaic_0001>

<sc_bundles>
// kernel: _sc_gather_t.3.cloned.1.call-start
scs
__scs_entry_jumppad:
0x0: {  	(pc) =	sbr.rel $0x88, $3  }
0x1: {  	(tag) =	ssettag $0x0;
	lr =	simm.s32 $0x1  }
0x2: {  	[smem:$0x3F9D] =	sst lr;
	_ =	strace $0xD0000000  }
0x3: {  	_ = 	snop  }
0x4: {  	_ = 	snop  }
0x5: {  	_ = 	snop  }
0x6: {  	_ = 	snop  }
0x7: {  	_ = 	snop  }
__scs_overlays_trampoline_lowered:
0x8: {  	[smem:$0x3FAC] =	sst s0  }
0x9: {  	[smem:$0x3FAD] =	sst s1  }
0xa: {  	[smem:$0x3FAE] =	sst s2  }
0xb: {  	[smem:$0x3FAF] =	sst s3  }
0xc: {  	[smem:$0x3FB0] =	sst s4  }
0xd: {  	[smem:$0x3FB1] =	sst s5  }
0xe: {  	[smem:$0x3FB2] =	sst s6  }
0xf: {  	[smem:$0x3FB3] =	sst s7  }
0x10: {  	[smem:$0x3FB4] =	sst s8  }
0x11: {  	[smem:$0x3FB5] =	sst s9;
	s0 =	simm.s32 @!p0 $0x0  }
0x12: {  	s1 =	sld [smem:$0x3F9B];
	s0 =	simm.s32 @p0 $0x1  }
0x13: {  	[smem:$0x3FB6] =	sst s0;
	s0 =	simm.s32 @!p1 $0x0  }
0x14: {  	s2 =	sld [smem:$0x3F9A];
	s0 =	simm.s32 @p1 $0x1  }
0x15: {  	[smem:$0x3FB7] =	sst s0;
	s0 =	simm.s32 @!p2 $0x0  }
0x16: {  	s3 =	sld [smem:$0x3FDB];
	s0 =	simm.s32 @p2 $0x1  }
0x17: {  	s4 =	simm.s32 $0x1BF5;
	[smem:$0x3FB9] =	sst s0  }
0x18: {  	s0 =	sld [smem:$0x3F9C];
	_ =	swait.ge [sflag:s4], $0x0  }
0x19: {  	s7 =	sld [smem:$0x3F9D]  }
0x1a: {  	s8 =	sadd.s32 $0xFFFFE003, lr  }
0x1b: {  	s9 =	sadd.s32 $0xFFFFFEF7, lr;
	s5 =	simm.s32 $0xFFFFFFFF;
	p2 =	slt.u32 s8, $0xFFFFF086  }
0x1c: {  	p1 =	slt.u32 s9, $0xF7A;
	s5 =	simm.s32 @!p2 $0x0  }
0x1d: {  	s5 =	simm.s32 @p1 $0x1;
	p0 =	seq.s32 s7, s2  }
0x1e: {  	s7 =	smul.u32 @!p0 $0xF7A, s2;
	p2 =	seq.s32 @!p0 s5, $0x0  }
0x1f: {  	s9 =	smul.u32 $0xF7A, s1;
	s8 =	simm.s32 @!p0 $0x1BF5;
	p2 =	por !p2, p0  }
0x20: {  	[sflag:s8] =	ssyncset.s32 @!p0 $0xFFFFF086;
	s6 =	sadd.s32 @!p0 s3, s7;
	s7 =	simm.s32 @!p0 $0x108  }
0x21: {  	s3 =	sadd.s32 s3, s9;
	s6 =	sadd.s32 @!p0 $0x88, s6;
	s7 =	simm.s32 @p2 $0x1082  }
0x22: {  	[simem:s7], [sflag:s8] =	dma.local @!p0 [hbm:s6], $0xF7A  }
0x23: {  	s9 =	sor.u32 $0xD0000000, s2;
	s6 =	simm.s32 $0x108;
	_ =	swait.ge @!p0 [sflag:s8], $0x0  }
0x24: {  	s3 =	sadd.s32 $0x88, s3;
	s6 =	simm.s32 @!p1 $0x1082;
	[sflag:s4] =	ssyncset.s32 $0xFFFFF086  }
0x25: {  	[simem:s6], [sflag:s4] =	dma.local [hbm:s3], $0xF7A  }
0x26: {  	[smem:$0x3F9D] =	sst s1;
	(tag) =	ssettag s2;
	_ =	strace s9  }
0x27: {  	s1 =	sld [smem:$0x3FAD]  }
0x28: {  	s2 =	sld [smem:$0x3FAE]  }
0x29: {  	s4 =	sld [smem:$0x3FB0]  }
0x2a: {  	p0 =	seq.s32 s5, $0x0;
	s5 =	sld [smem:$0x3FB1]  }
0x2b: {  	s6 =	sld [smem:$0x3FB2]  }
0x2c: {  	s7 =	sld [smem:$0x3FB3]  }
0x2d: {  	s3 =	simm.s32 $0x108;
	s8 =	sld [smem:$0x3FB4]  }
0x2e: {  	s3 =	simm.s32 @!p0 $0x1082;
	s9 =	sld [smem:$0x3FB5]  }
0x2f: {  	lr =	sadd.s32 s0, s3;
	s0 =	sld [smem:$0x3FAC]  }
0x30: {  	s3 =	sld [smem:$0x3FAF]  }
0x31: {  	[smem:$0x3FB8] =	sst s10  }
0x32: {  	s10 =	sld [smem:$0x3FB6];
	_ =	sdelay $0x3  }
0x33: {  	p0 =	seq.s32 s10, $0x1;
	s10 =	sld [smem:$0x3FB8];
	_ =	sdelay $0x3  }
0x34: {  	[smem:$0x3FB8] =	sst s10  }
0x35: {  	s10 =	sld [smem:$0x3FB7];
	_ =	sdelay $0x3  }
0x36: {  	p1 =	seq.s32 s10, $0x1;
	s10 =	sld [smem:$0x3FB8];
	_ =	sdelay $0x3  }
0x37: {  	[smem:$0x3FB8] =	sst s10  }
0x38: {  	s10 =	sld [smem:$0x3FB9]  }
0x39: {  	_ = 	snop;
	(pc) =	sbr.ind lr, $3  }
0x3a: {  	_ = 	snop  }
0x3b: {  	_ = 	snop  }
0x3c: {  	p2 =	seq.s32 s10, $0x1;
	s10 =	sld [smem:$0x3FB8]  }
0x3d: {  	_ =	shalt  }
0x3e: {  	_ =	shalt  }
0x3f: {  	_ =	shalt  }
0x40: {  	_ =	shalt  }
0x41: {  	_ =	shalt  }
0x42: {  	_ =	shalt  }
0x43: {  	_ =	shalt  }
0x44: {  	_ =	shalt  }
0x45: {  	_ =	shalt  }
0x46: {  	_ =	shalt  }
0x47: {  	_ =	shalt  }
0x48: {  	_ =	shalt  }
0x49: {  	_ =	shalt  }
0x4a: {  	_ =	shalt  }
0x4b: {  	_ =	shalt  }
0x4c: {  	_ =	shalt  }
0x4d: {  	_ =	shalt  }
0x4e: {  	_ =	shalt  }
0x4f: {  	_ =	shalt  }
0x50: {  	_ =	shalt  }
0x51: {  	_ =	shalt  }
0x52: {  	_ =	shalt  }
0x53: {  	_ =	shalt  }
0x54: {  	_ =	shalt  }
0x55: {  	_ =	shalt  }
0x56: {  	_ =	shalt  }
0x57: {  	_ =	shalt  }
0x58: {  	_ =	shalt  }
0x59: {  	_ =	shalt  }
0x5a: {  	_ =	shalt  }
0x5b: {  	_ =	shalt  }
0x5c: {  	_ =	shalt  }
0x5d: {  	_ =	shalt  }
0x5e: {  	_ =	shalt  }
0x5f: {  	_ =	shalt  }
0x60: {  	_ =	shalt  }
0x61: {  	_ =	shalt  }
0x62: {  	_ =	shalt  }
0x63: {  	_ =	shalt  }
0x64: {  	_ =	shalt  }
0x65: {  	_ =	shalt  }
0x66: {  	_ =	shalt  }
0x67: {  	_ =	shalt  }
0x68: {  	_ =	shalt  }
0x69: {  	_ =	shalt  }
0x6a: {  	_ =	shalt  }
0x6b: {  	_ =	shalt  }
0x6c: {  	_ =	shalt  }
0x6d: {  	_ =	shalt  }
0x6e: {  	_ =	shalt  }
0x6f: {  	_ =	shalt  }
0x70: {  	_ =	shalt  }
0x71: {  	_ =	shalt  }
0x72: {  	_ =	shalt  }
0x73: {  	_ =	shalt  }
0x74: {  	_ =	shalt  }
0x75: {  	_ =	shalt  }
0x76: {  	_ =	shalt  }
0x77: {  	_ =	shalt  }
0x78: {  	_ =	shalt  }
0x79: {  	_ =	shalt  }
0x7a: {  	_ =	shalt  }
0x7b: {  	_ =	shalt  }
0x7c: {  	_ =	shalt  }
0x7d: {  	_ =	shalt  }
0x7e: {  	_ =	shalt  }
0x7f: {  	_ =	shalt  }
0x80: {  	_ =	shalt  }
0x81: {  	_ =	shalt  }
0x82: {  	_ =	shalt  }
0x83: {  	_ =	shalt  }
0x84: {  	_ =	shalt  }
0x85: {  	_ =	shalt  }
0x86: {  	_ =	shalt  }
0x87: {  	_ =	shalt  }
.Lfunc_end0:
.L_simem_size_0:
called_computation_lowered:
.L_overlay_start_0:
0x88: {  	s2 =	sld [smem:$0x3FD9]  }
0x89: {  	s3 =	sld [smem:$0x3FFE];
	_ =	sdelay $0x1  }
0x8a: {  	s1 =	srdreg.scid  }
0x8b: {  	s0 =	sand.u32 $0x1, s1  }
0x8c: {  	s15 =	sshll.u32 s0, $0xA;
	s2 =	sadd.s32 s3, s2  }
0x8d: {  	s2 =	sadd.s32 s2, s15  }
0x8e: {  	[smem:$0x3FC4] =	sst s2  }
0x8f: {  	_ = 	snop  }
0x90: {  	s2 =	sld [smem:$0x3FC9]  }
0x91: {  	s16 =	sld [smem:$0x3FD0]  }
0x92: {  	s4 =	sld [smem:$0x3FC8]  }
0x93: {  	s5 =	sld [smem:$0x3FC7]  }
0x94: {  	s7 =	simm.s32 $0xA;
	s8 =	simm.s32 $0x10;
	s6 =	sld [smem:$0x3FC6]  }
0x95: {  	[smem:s8], [sflag:s7] =	dma.local [hbm:s16], $0x1  }
0x96: {  	_ =	swait.eq [sflag:s7], $0x1  }
0x97: {  	[sflag:s7] =	ssyncset.done $0x0  }
0x98: {  	s17 =	sld [smem:$0x10];
	[sflag:s7] =	ssyncadd.s32 $0xFFFFFFFF  }
0x99: {  	s18 =	sld [smem:$0x11];
	(tm) =	ssettm $0x1  }
0x9a: {  	s19 =	sld [smem:$0x3FFB];
	_ =	sdelay $0x3  }
0x9b: {  	_ =	strace s19  }
0x9c: {  	s8 =	sld [smem:$0x3FFC];
	_ =	sdelay $0x3  }
0x9d: {  	_ =	strace s8  }
0x9e: {  	s8 =	sld [smem:$0x3FFD];
	_ =	sdelay $0x3  }
0x9f: {  	_ =	strace s8  }
0xa0: {  	_ =	strace $0x8FFFFFFF  }
0xa1: {  	s20 =	sld [smem:$0x3FDB];
	_ =	sdelay $0x1  }
0xa2: {  	s9 =	simm.s32 $_scs_section_size  }
0xa3: {  	s10 =	simm.s32 $_size__tile_overlayer_lowered;
	s11 =	simm.s32 $_tile_overlayer_lowered  }
0xa4: {  	s23 =	simm.s32 $0x1BFF;
	s22 =	sshll.u32 s11, $0x1;
	s8 =	sadd.s32 s9, s20  }
0xa5: {  	s12 =	simm.s32 $0x0;
	s21 =	sshll.u32 s10, $0x1;
	s10 =	sadd.s32 s22, s8  }
0xa6: {  	[timem:s12], [sflag:s23] =	dma.local [hbm:s10], s21  }
0xa7: {  	_ =	swait.ge [sflag:s23], s21  }
0xa8: {  	s9 =	ssub.s32 $0x0, s21;
	[sflag:s23] =	ssyncset.done $0x0  }
0xa9: {  	[sflag:s23] =	ssyncadd.s32 s9;
	_ =	sdelay $0x1  }
0xaa: {  	s24 =	simm.s32 $0x1B8B  }
0xab: {  	_ =	swait.ge [sflag:s24], $0x1  }
0xac: {  	[sflag:s24] =	ssyncset.done $0x0  }
0xad: {  	s25 =	simm.s32 $0x1B8E;
	[sflag:s24] =	ssyncadd.s32 $0xFFFFFFFF  }
0xae: {  	s26 =	simm.s32 $execute0_lowered;
	[smem:$0x3FD2] =	sst s25  }
0xaf: {  	s9 =	sshll.u32 s26, $0x1;
	_ =	strace $0x80000046;
	[dreg:$0x1] =	wrdreg $0xFFFFFFFF  }
0xb0: {  	s28 =	simm.s32 $_size_execute0_lowered;
	s8 =	sadd.s32 s8, s9;
	[dreg:$0x0] =	wrdreg $0x0  }
0xb1: {  	s9 =	sshll.u32 s28, $0x1;
	[dreg:$0x2] =	wrdreg s8  }
0xb2: {  	[dreg:$0x3] =	wrdreg s9  }
0xb3: {  	[dreg:$0x4] =	wrdreg $0xC0  }
0xb4: {  	_ =	task [dreg:s12], $0x5FFFF  }
0xb5: {  	[dreg:$0x1] =	wrdreg $0xFFFFFFFF  }
0xb6: {  	[dreg:$0x0] =	wrdreg $0x60  }
0xb7: {  	[dreg:$0x2] =	wrdreg s2  }
0xb8: {  	[dreg:$0x3] =	wrdreg s4  }
0xb9: {  	[dreg:$0x4] =	wrdreg s5  }
0xba: {  	[dreg:$0x5] =	wrdreg s6  }
0xbb: {  	[dreg:$0x6] =	wrdreg s17  }
0xbc: {  	[dreg:$0x7] =	wrdreg s18  }
0xbd: {  	[dreg:$0x8] =	wrdreg $0x9  }
0xbe: {  	_ =	task.clear_ibuf [dreg:s12], $0x9FFFF;
	_ =	strace $0x90000046  }
0xbf: {  	s29 =	simm.s32 $0x9;
	_ =	strace $0x80000048  }
0xc0: {  	_ =	swait.ge [sflag:s29], $0x1  }
0xc1: {  	[sflag:s29] =	ssyncadd.s32 $0xFFFFFFFF  }
0xc2: {  	_ =	strace $0x90000048  }
0xc3: {  	_ =	sfence  }
0xc4: {  	s30 =	sld [smem:$0x0];
	_ =	sdelay $0x2  }
0xc5: {  	s31 =	sshll.u32 s1, $0xD;
	s1 =	sshrl.u32 s1, $0x2  }
0xc6: {  	s3 =	sand.u32 $0x4000, s31;
	s1 =	sadd.s32 s1, s30  }
0xc7: {  	s0 =	sor.u32 s3, s0;
	s1 =	sshll.u32 s1, $0x11  }
0xc8: {  	s0 =	sor.u32 s1, s0  }
0xc9: {  	s0 =	sadd.s32 $0x8F2B, s0  }
0xca: {  	[sflag:s0] =	ssyncadd.remote.s32 $0x1  }
0xcb: {  	_ =	sfence.sel $0xFFFF  }
0xcc: {  	[dreg:$0x0] =	wrdreg $0xFFFFFFFF;
	(pc) =	sbr.abs _section_cstart, $3  }
0xcd: {  	[dreg:$0x1] =	wrdreg $0xFFFFFFFF  }
0xce: {  	_ =	task.clear_ibuf [dreg:s12], $0x2FFFF;
	_ =	strace $0x9FFFFFFF  }
0xcf: {  	(tm) =	ssettm $0x7FFFFFFF  }
tec
execute0_lowered:
.L_overlay_start_1:
0x0: {  	(tag) =	ssettag $0x1  }
0x1: {  	s9 =	rddreg [dreg:$0x0]  }
0x2: {  	s16 =	rddreg [dreg:$0x1]  }
0x3: {  	s1 =	rddreg [dreg:$0x2]  }
0x4: {  	s2 =	rddreg [dreg:$0x3]  }
0x5: {  	s11 =	rddreg [dreg:$0x4]  }
0x6: {  	s18 =	rddreg [dreg:$0x5]  }
0x7: {  	s0 =	rddreg [dreg:$0x6]  }
0x8: {  	s4 =	simm.s32 $0x0;
	s5 =	srdreg.scid;
	s3 =	stileid.u32  }
0x9: {  	s22 =	simm.s32 $0x2000;
	s23 =	simm.s32 $0x1;
	s24 =	simm.s32 $0x1A700  }
0xa: {  	s25 =	simm.s32 $0x0;
	[smem:$0x7FF] =	sst s4;
	s5 =	sand.u32 $0x1, s5  }
0xb: {  	s6 =	sshll.u32 s3, $0x9;
	s7 =	sshrl.u32 s3, $0x1;
	s8 =	sshll.u32 s5, $0x8  }
0xc: {  	s6 =	sand.u32 $0x200, s6;
	s10 =	smul.u32 $0xC3800, s7;
	_ =	strace $0x80000047  }
0xd: {  	s5 =	ssub.s32 $0x2, s5;
	s12 =	sshll.u32 s7, $0x11;
	s8 =	sor.u32 s8, s6  }
0xe: {  	s7 =	sadd.s32 $0x400, s1;
	s30 =	sshrl.u32 s5, $0x1;
	s6 =	sor.u32 s10, s8  }
0xf: {  	s31 =	sor.u32 s12, s8;
	s19 =	ssub.s32 s5, s30;
	s8 =	sor.u32 $0x80, s8  }
0x10: {  	s13 =	sshrl.u32 s6, $0x3;
	s14 =	sshrl.u32 s31, $0x3;
	s10 =	sor.u32 s10, s8  }
0x11: {  	s12 =	sor.u32 s12, s8;
	s19 =	smax.u32 s19, $0x1;
	s5 =	sadd.s32 s9, s13  }
0x12: {  	s6 =	sadd.s32 s11, s14;
	s15 =	sor.u32 $0x2000, s14;
	s17 =	sshrl.u32 s10, $0x3  }
0x13: {  	s20 =	sshrl.u32 s12, $0x3;
	s12 =	sadd.s32 s16, s13;
	s13 =	sadd.s32 s18, s14  }
0x14: {  	s14 =	sadd.s32 $0x400, s2;
	s8 =	sadd.s32 s11, s15;
	s9 =	sadd.s32 s9, s17  }
0x15: {  	s10 =	sadd.s32 s11, s20;
	s21 =	sor.u32 $0x2000, s20;
	s15 =	sadd.s32 s18, s15  }
0x16: {  	s16 =	sadd.s32 s16, s17;
	s17 =	sadd.s32 s18, s20;
	s20 =	simm.s32 $0x80  }
0x17: {  	s11 =	sadd.s32 s11, s21;
	s18 =	sadd.s32 s18, s21;
	s21 =	simm.s32 $0x400  }
.LBB2_1:
0x18: {  	[tilespmem:s22], [sflag:$0x1] =	stream.strided.gather [hbm4b:s5+s20], $0x18700, s21, s20, $0x38;
	[tilespmem:$0x1C700] =	vst v63  }
0x19: {  	_ =	swait.ge [sflag:s23], $0x18700  }
0x1a: {  	[sflag:s23] =	ssyncset.done $0x0  }
0x1b: {  	[sflag:s23] =	ssyncadd.s32 $0xFFFE7900  }
0x1c: {  	[tilespmem:s4], [sflag:$0x1] =	stream.linear.gather [hbm4b:s1+s4], $0x2000, $0x38;
	[tilespmem:$0x1C700] =	vst v63  }
0x1d: {  	_ =	swait.ge [sflag:s23], $0x2000  }
0x1e: {  	s26 =	simm.s32 $0xFFFFFFF8;
	[sflag:s23] =	ssyncset.done $0x0  }
0x1f: {  	s28 =	simm.s32 $0x40;
	s29 =	simm.s32 $0x1A740;
	[sflag:s23] =	ssyncadd.s32 $0xFFFFE000  }
.LBB2_2:
0x20: {  	v0 =	vld [tilespmem:s28+$0xFFFFFFC0];
	_ =	sdelay $0x7  }
0x21: {  	v0 =	vld.idx.msk [tilespmem:v0+s22+$0x0], $0xffff;
	_ =	sdelay $0x4  }
0x22: {  	[tilespmem:s29+$0xFFFFFFC0] =	vst v0  }
0x23: {  	v0 =	vld [tilespmem:s28+$0xFFFFFFD0];
	_ =	sdelay $0x7  }
0x24: {  	v0 =	vld.idx.msk [tilespmem:v0+s22+$0x0], $0xffff;
	_ =	sdelay $0x4  }
0x25: {  	[tilespmem:s29+$0xFFFFFFD0] =	vst v0  }
0x26: {  	v0 =	vld [tilespmem:s28+$0xFFFFFFE0];
	_ =	sdelay $0x7  }
0x27: {  	v0 =	vld.idx.msk [tilespmem:v0+s22+$0x0], $0xffff;
	_ =	sdelay $0x4  }
0x28: {  	[tilespmem:s29+$0xFFFFFFE0] =	vst v0  }
0x29: {  	v0 =	vld [tilespmem:s28+$0xFFFFFFF0];
	_ =	sdelay $0x7  }
0x2a: {  	v0 =	vld.idx.msk [tilespmem:v0+s22+$0x0], $0xffff;
	_ =	sdelay $0x4  }
0x2b: {  	[tilespmem:s29+$0xFFFFFFF0] =	vst v0  }
0x2c: {  	v0 =	vld [tilespmem:s28+$0x0];
	_ =	sdelay $0x7  }
0x2d: {  	v0 =	vld.idx.msk [tilespmem:v0+s22+$0x0], $0xffff;
	_ =	sdelay $0x4  }
0x2e: {  	[tilespmem:s29+$0x0] =	vst v0  }
0x2f: {  	v0 =	vld [tilespmem:s28+$0x10];
	_ =	sdelay $0x7  }
0x30: {  	v0 =	vld.idx.msk [tilespmem:v0+s22+$0x0], $0xffff;
	_ =	sdelay $0x4  }
0x31: {  	[tilespmem:s29+$0x10] =	vst v0  }
0x32: {  	v0 =	vld [tilespmem:s28+$0x20];
	_ =	sdelay $0x7  }
0x33: {  	v0 =	vld.idx.msk [tilespmem:v0+s22+$0x0], $0xffff;
	_ =	sdelay $0x4  }
0x34: {  	[tilespmem:s29+$0x20] =	vst v0  }
0x35: {  	v0 =	vld [tilespmem:s28+$0x30];
	_ =	sdelay $0x6  }
0x36: {  	s26 =	sadd.s32 $0x8, s26  }
0x37: {  	p0 =	slt.u32 s26, $0x1F8;
	v0 =	vld.idx.msk [tilespmem:v0+s22+$0x0], $0xffff  }
.Ltmp0:
0x38: {  	_ = 	snop;
	(pc) =	sbr.rel @p0 .LBB2_2-.Ltmp0, $2  }
0x39: {  	_ =	sdelay $0x2  }
0x3a: {  	s28 =	sadd.s32 $0x80, s28;
	[tilespmem:s29+$0x30] =	vst v0;
	s29 =	sadd.s32 $0x80, s29  }
0x3b: {  	[hbm4b:s6+s20] =	stream.strided.scatter [tilespmem:s24], [sflag:$0x1], $0x2000, s21, s20, $0x38;
	[tilespmem:$0x1C700] =	vst v63  }
0x3c: {  	_ =	swait.ge [sflag:s23], $0x2000  }
0x3d: {  	[sflag:s23] =	ssyncset.done $0x0  }
0x3e: {  	[sflag:s23] =	ssyncadd.s32 $0xFFFFE000  }
0x3f: {  	[tilespmem:s4], [sflag:$0x1] =	stream.linear.gather [hbm4b:s7+s4], $0x2000, $0x38;
	[tilespmem:$0x1C700] =	vst v63  }
0x40: {  	_ =	swait.ge [sflag:s23], $0x2000  }
0x41: {  	s26 =	simm.s32 $0xFFFFFFF8;
	[sflag:s23] =	ssyncset.done $0x0  }
0x42: {  	s28 =	simm.s32 $0x40;
	s29 =	simm.s32 $0x1A740;
	[sflag:s23] =	ssyncadd.s32 $0xFFFFE000  }
.LBB2_4:
0x43: {  	v0 =	vld [tilespmem:s28+$0xFFFFFFC0];
	_ =	sdelay $0x7  }
0x44: {  	v0 =	vld.idx.msk [tilespmem:v0+s22+$0x0], $0xffff;
	_ =	sdelay $0x4  }
0x45: {  	[tilespmem:s29+$0xFFFFFFC0] =	vst v0  }
0x46: {  	v0 =	vld [tilespmem:s28+$0xFFFFFFD0];
	_ =	sdelay $0x7  }
0x47: {  	v0 =	vld.idx.msk [tilespmem:v0+s22+$0x0], $0xffff;
	_ =	sdelay $0x4  }
0x48: {  	[tilespmem:s29+$0xFFFFFFD0] =	vst v0  }
0x49: {  	v0 =	vld [tilespmem:s28+$0xFFFFFFE0];
	_ =	sdelay $0x7  }
0x4a: {  	v0 =	vld.idx.msk [tilespmem:v0+s22+$0x0], $0xffff;
	_ =	sdelay $0x4  }
0x4b: {  	[tilespmem:s29+$0xFFFFFFE0] =	vst v0  }
0x4c: {  	v0 =	vld [tilespmem:s28+$0xFFFFFFF0];
	_ =	sdelay $0x7  }
0x4d: {  	v0 =	vld.idx.msk [tilespmem:v0+s22+$0x0], $0xffff;
	_ =	sdelay $0x4  }
0x4e: {  	[tilespmem:s29+$0xFFFFFFF0] =	vst v0  }
0x4f: {  	v0 =	vld [tilespmem:s28+$0x0];
	_ =	sdelay $0x7  }
0x50: {  	v0 =	vld.idx.msk [tilespmem:v0+s22+$0x0], $0xffff;
	_ =	sdelay $0x4  }
0x51: {  	[tilespmem:s29+$0x0] =	vst v0  }
0x52: {  	v0 =	vld [tilespmem:s28+$0x10];
	_ =	sdelay $0x7  }
0x53: {  	v0 =	vld.idx.msk [tilespmem:v0+s22+$0x0], $0xffff;
	_ =	sdelay $0x4  }
0x54: {  	[tilespmem:s29+$0x10] =	vst v0  }
0x55: {  	v0 =	vld [tilespmem:s28+$0x20];
	_ =	sdelay $0x7  }
0x56: {  	v0 =	vld.idx.msk [tilespmem:v0+s22+$0x0], $0xffff;
	_ =	sdelay $0x4  }
0x57: {  	[tilespmem:s29+$0x20] =	vst v0  }
0x58: {  	v0 =	vld [tilespmem:s28+$0x30];
	_ =	sdelay $0x6  }
0x59: {  	s26 =	sadd.s32 $0x8, s26  }
0x5a: {  	p0 =	slt.u32 s26, $0x1F8;
	v0 =	vld.idx.msk [tilespmem:v0+s22+$0x0], $0xffff  }
.Ltmp1:
0x5b: {  	_ = 	snop;
	(pc) =	sbr.rel @p0 .LBB2_4-.Ltmp1, $2  }
0x5c: {  	_ =	sdelay $0x2  }
0x5d: {  	s28 =	sadd.s32 $0x80, s28;
	[tilespmem:s29+$0x30] =	vst v0;
	s29 =	sadd.s32 $0x80, s29  }
0x5e: {  	[hbm4b:s8+s20] =	stream.strided.scatter [tilespmem:s24], [sflag:$0x1], $0x2000, s21, s20, $0x38;
	[tilespmem:$0x1C700] =	vst v63  }
0x5f: {  	_ =	swait.ge [sflag:s23], $0x2000  }
0x60: {  	[sflag:s23] =	ssyncset.done $0x0  }
0x61: {  	[sflag:s23] =	ssyncadd.s32 $0xFFFFE000  }
0x62: {  	[tilespmem:s22], [sflag:$0x1] =	stream.strided.gather [hbm4b:s9+s20], $0x18700, s21, s20, $0x38;
	[tilespmem:$0x1C700] =	vst v63  }
0x63: {  	_ =	swait.ge [sflag:s23], $0x18700  }
0x64: {  	[sflag:s23] =	ssyncset.done $0x0  }
0x65: {  	[sflag:s23] =	ssyncadd.s32 $0xFFFE7900  }
0x66: {  	[tilespmem:s4], [sflag:$0x1] =	stream.linear.gather [hbm4b:s1+s4], $0x2000, $0x38;
	[tilespmem:$0x1C700] =	vst v63  }
0x67: {  	_ =	swait.ge [sflag:s23], $0x2000  }
0x68: {  	s26 =	simm.s32 $0xFFFFFFF8;
	[sflag:s23] =	ssyncset.done $0x0  }
0x69: {  	s28 =	simm.s32 $0x40;
	s29 =	simm.s32 $0x1A740;
	[sflag:s23] =	ssyncadd.s32 $0xFFFFE000  }
.LBB2_6:
0x6a: {  	v0 =	vld [tilespmem:s28+$0xFFFFFFC0];
	_ =	sdelay $0x7  }
0x6b: {  	v0 =	vld.idx.msk [tilespmem:v0+s22+$0x0], $0xffff;
	_ =	sdelay $0x4  }
0x6c: {  	[tilespmem:s29+$0xFFFFFFC0] =	vst v0  }
0x6d: {  	v0 =	vld [tilespmem:s28+$0xFFFFFFD0];
	_ =	sdelay $0x7  }
0x6e: {  	v0 =	vld.idx.msk [tilespmem:v0+s22+$0x0], $0xffff;
	_ =	sdelay $0x4  }
0x6f: {  	[tilespmem:s29+$0xFFFFFFD0] =	vst v0  }
0x70: {  	v0 =	vld [tilespmem:s28+$0xFFFFFFE0];
	_ =	sdelay $0x7  }
0x71: {  	v0 =	vld.idx.msk [tilespmem:v0+s22+$0x0], $0xffff;
	_ =	sdelay $0x4  }
0x72: {  	[tilespmem:s29+$0xFFFFFFE0] =	vst v0  }
0x73: {  	v0 =	vld [tilespmem:s28+$0xFFFFFFF0];
	_ =	sdelay $0x7  }
0x74: {  	v0 =	vld.idx.msk [tilespmem:v0+s22+$0x0], $0xffff;
	_ =	sdelay $0x4  }
0x75: {  	[tilespmem:s29+$0xFFFFFFF0] =	vst v0  }
0x76: {  	v0 =	vld [tilespmem:s28+$0x0];
	_ =	sdelay $0x7  }
0x77: {  	v0 =	vld.idx.msk [tilespmem:v0+s22+$0x0], $0xffff;
	_ =	sdelay $0x4  }
0x78: {  	[tilespmem:s29+$0x0] =	vst v0  }
0x79: {  	v0 =	vld [tilespmem:s28+$0x10];
	_ =	sdelay $0x7  }
0x7a: {  	v0 =	vld.idx.msk [tilespmem:v0+s22+$0x0], $0xffff;
	_ =	sdelay $0x4  }
0x7b: {  	[tilespmem:s29+$0x10] =	vst v0  }
0x7c: {  	v0 =	vld [tilespmem:s28+$0x20];
	_ =	sdelay $0x7  }
0x7d: {  	v0 =	vld.idx.msk [tilespmem:v0+s22+$0x0], $0xffff;
	_ =	sdelay $0x4  }
0x7e: {  	[tilespmem:s29+$0x20] =	vst v0  }
0x7f: {  	v0 =	vld [tilespmem:s28+$0x30];
	_ =	sdelay $0x6  }
0x80: {  	s26 =	sadd.s32 $0x8, s26  }
0x81: {  	p0 =	slt.u32 s26, $0x1F8;
	v0 =	vld.idx.msk [tilespmem:v0+s22+$0x0], $0xffff  }
.Ltmp2:
0x82: {  	_ = 	snop;
	(pc) =	sbr.rel @p0 .LBB2_6-.Ltmp2, $2  }
0x83: {  	_ =	sdelay $0x2  }
0x84: {  	s28 =	sadd.s32 $0x80, s28;
	[tilespmem:s29+$0x30] =	vst v0;
	s29 =	sadd.s32 $0x80, s29  }
0x85: {  	[hbm4b:s10+s20] =	stream.strided.scatter [tilespmem:s24], [sflag:$0x1], $0x2000, s21, s20, $0x38;
	[tilespmem:$0x1C700] =	vst v63  }
0x86: {  	_ =	swait.ge [sflag:s23], $0x2000  }
0x87: {  	[sflag:s23] =	ssyncset.done $0x0  }
0x88: {  	[sflag:s23] =	ssyncadd.s32 $0xFFFFE000  }
0x89: {  	[tilespmem:s4], [sflag:$0x1] =	stream.linear.gather [hbm4b:s7+s4], $0x2000, $0x38;
	[tilespmem:$0x1C700] =	vst v63  }
0x8a: {  	_ =	swait.ge [sflag:s23], $0x2000  }
0x8b: {  	s26 =	simm.s32 $0xFFFFFFF8;
	[sflag:s23] =	ssyncset.done $0x0  }
0x8c: {  	s28 =	simm.s32 $0x40;
	s29 =	simm.s32 $0x1A740;
	[sflag:s23] =	ssyncadd.s32 $0xFFFFE000  }
.LBB2_8:
0x8d: {  	v0 =	vld [tilespmem:s28+$0xFFFFFFC0];
	_ =	sdelay $0x7  }
0x8e: {  	v0 =	vld.idx.msk [tilespmem:v0+s22+$0x0], $0xffff;
	_ =	sdelay $0x4  }
0x8f: {  	[tilespmem:s29+$0xFFFFFFC0] =	vst v0  }
0x90: {  	v0 =	vld [tilespmem:s28+$0xFFFFFFD0];
	_ =	sdelay $0x7  }
0x91: {  	v0 =	vld.idx.msk [tilespmem:v0+s22+$0x0], $0xffff;
	_ =	sdelay $0x4  }
0x92: {  	[tilespmem:s29+$0xFFFFFFD0] =	vst v0  }
0x93: {  	v0 =	vld [tilespmem:s28+$0xFFFFFFE0];
	_ =	sdelay $0x7  }
0x94: {  	v0 =	vld.idx.msk [tilespmem:v0+s22+$0x0], $0xffff;
	_ =	sdelay $0x4  }
0x95: {  	[tilespmem:s29+$0xFFFFFFE0] =	vst v0  }
0x96: {  	v0 =	vld [tilespmem:s28+$0xFFFFFFF0];
	_ =	sdelay $0x7  }
0x97: {  	v0 =	vld.idx.msk [tilespmem:v0+s22+$0x0], $0xffff;
	_ =	sdelay $0x4  }
0x98: {  	[tilespmem:s29+$0xFFFFFFF0] =	vst v0  }
0x99: {  	v0 =	vld [tilespmem:s28+$0x0];
	_ =	sdelay $0x7  }
0x9a: {  	v0 =	vld.idx.msk [tilespmem:v0+s22+$0x0], $0xffff;
	_ =	sdelay $0x4  }
0x9b: {  	[tilespmem:s29+$0x0] =	vst v0  }
0x9c: {  	v0 =	vld [tilespmem:s28+$0x10];
	_ =	sdelay $0x7  }
0x9d: {  	v0 =	vld.idx.msk [tilespmem:v0+s22+$0x0], $0xffff;
	_ =	sdelay $0x4  }
0x9e: {  	[tilespmem:s29+$0x10] =	vst v0  }
0x9f: {  	v0 =	vld [tilespmem:s28+$0x20];
	_ =	sdelay $0x7  }
0xa0: {  	v0 =	vld.idx.msk [tilespmem:v0+s22+$0x0], $0xffff;
	_ =	sdelay $0x4  }
0xa1: {  	[tilespmem:s29+$0x20] =	vst v0  }
0xa2: {  	v0 =	vld [tilespmem:s28+$0x30];
	_ =	sdelay $0x6  }
0xa3: {  	s26 =	sadd.s32 $0x8, s26  }
0xa4: {  	p0 =	slt.u32 s26, $0x1F8;
	v0 =	vld.idx.msk [tilespmem:v0+s22+$0x0], $0xffff  }
.Ltmp3:
0xa5: {  	_ = 	snop;
	(pc) =	sbr.rel @p0 .LBB2_8-.Ltmp3, $2  }
0xa6: {  	_ =	sdelay $0x2  }
0xa7: {  	s28 =	sadd.s32 $0x80, s28;
	[tilespmem:s29+$0x30] =	vst v0;
	s29 =	sadd.s32 $0x80, s29  }
0xa8: {  	[hbm4b:s11+s20] =	stream.strided.scatter [tilespmem:s24], [sflag:$0x1], $0x2000, s21, s20, $0x38;
	[tilespmem:$0x1C700] =	vst v63  }
0xa9: {  	_ =	swait.ge [sflag:s23], $0x2000  }
0xaa: {  	[sflag:s23] =	ssyncset.done $0x0  }
0xab: {  	[sflag:s23] =	ssyncadd.s32 $0xFFFFE000  }
0xac: {  	[tilespmem:s22], [sflag:$0x1] =	stream.strided.gather [hbm4b:s12+s20], $0x18700, s21, s20, $0x38;
	[tilespmem:$0x1C700] =	vst v63  }
0xad: {  	_ =	swait.ge [sflag:s23], $0x18700  }
0xae: {  	[sflag:s23] =	ssyncset.done $0x0  }
0xaf: {  	[sflag:s23] =	ssyncadd.s32 $0xFFFE7900  }
0xb0: {  	[tilespmem:s4], [sflag:$0x1] =	stream.linear.gather [hbm4b:s2+s4], $0x2000, $0x38;
	[tilespmem:$0x1C700] =	vst v63  }
0xb1: {  	_ =	swait.ge [sflag:s23], $0x2000  }
0xb2: {  	s26 =	simm.s32 $0xFFFFFFF8;
	[sflag:s23] =	ssyncset.done $0x0  }
0xb3: {  	s28 =	simm.s32 $0x40;
	s29 =	simm.s32 $0x1A740;
	[sflag:s23] =	ssyncadd.s32 $0xFFFFE000  }
.LBB2_10:
0xb4: {  	v0 =	vld [tilespmem:s28+$0xFFFFFFC0];
	_ =	sdelay $0x7  }
0xb5: {  	v0 =	vld.idx.msk [tilespmem:v0+s22+$0x0], $0xffff;
	_ =	sdelay $0x4  }
0xb6: {  	[tilespmem:s29+$0xFFFFFFC0] =	vst v0  }
0xb7: {  	v0 =	vld [tilespmem:s28+$0xFFFFFFD0];
	_ =	sdelay $0x7  }
0xb8: {  	v0 =	vld.idx.msk [tilespmem:v0+s22+$0x0], $0xffff;
	_ =	sdelay $0x4  }
0xb9: {  	[tilespmem:s29+$0xFFFFFFD0] =	vst v0  }
0xba: {  	v0 =	vld [tilespmem:s28+$0xFFFFFFE0];
	_ =	sdelay $0x7  }
0xbb: {  	v0 =	vld.idx.msk [tilespmem:v0+s22+$0x0], $0xffff;
	_ =	sdelay $0x4  }
0xbc: {  	[tilespmem:s29+$0xFFFFFFE0] =	vst v0  }
0xbd: {  	v0 =	vld [tilespmem:s28+$0xFFFFFFF0];
	_ =	sdelay $0x7  }
0xbe: {  	v0 =	vld.idx.msk [tilespmem:v0+s22+$0x0], $0xffff;
	_ =	sdelay $0x4  }
0xbf: {  	[tilespmem:s29+$0xFFFFFFF0] =	vst v0  }
0xc0: {  	v0 =	vld [tilespmem:s28+$0x0];
	_ =	sdelay $0x7  }
0xc1: {  	v0 =	vld.idx.msk [tilespmem:v0+s22+$0x0], $0xffff;
	_ =	sdelay $0x4  }
0xc2: {  	[tilespmem:s29+$0x0] =	vst v0  }
0xc3: {  	v0 =	vld [tilespmem:s28+$0x10];
	_ =	sdelay $0x7  }
0xc4: {  	v0 =	vld.idx.msk [tilespmem:v0+s22+$0x0], $0xffff;
	_ =	sdelay $0x4  }
0xc5: {  	[tilespmem:s29+$0x10] =	vst v0  }
0xc6: {  	v0 =	vld [tilespmem:s28+$0x20];
	_ =	sdelay $0x7  }
0xc7: {  	v0 =	vld.idx.msk [tilespmem:v0+s22+$0x0], $0xffff;
	_ =	sdelay $0x4  }
0xc8: {  	[tilespmem:s29+$0x20] =	vst v0  }
0xc9: {  	v0 =	vld [tilespmem:s28+$0x30];
	_ =	sdelay $0x6  }
0xca: {  	s26 =	sadd.s32 $0x8, s26  }
0xcb: {  	p0 =	slt.u32 s26, $0x1F8;
	v0 =	vld.idx.msk [tilespmem:v0+s22+$0x0], $0xffff  }
.Ltmp4:
0xcc: {  	_ = 	snop;
	(pc) =	sbr.rel @p0 .LBB2_10-.Ltmp4, $2  }
0xcd: {  	_ =	sdelay $0x2  }
0xce: {  	s28 =	sadd.s32 $0x80, s28;
	[tilespmem:s29+$0x30] =	vst v0;
	s29 =	sadd.s32 $0x80, s29  }
0xcf: {  	[hbm4b:s13+s20] =	stream.strided.scatter [tilespmem:s24], [sflag:$0x1], $0x2000, s21, s20, $0x38;
	[tilespmem:$0x1C700] =	vst v63  }
0xd0: {  	_ =	swait.ge [sflag:s23], $0x2000  }
0xd1: {  	[sflag:s23] =	ssyncset.done $0x0  }
0xd2: {  	[sflag:s23] =	ssyncadd.s32 $0xFFFFE000  }
0xd3: {  	[tilespmem:s4], [sflag:$0x1] =	stream.linear.gather [hbm4b:s14+s4], $0x2000, $0x38;
	[tilespmem:$0x1C700] =	vst v63  }
0xd4: {  	_ =	swait.ge [sflag:s23], $0x2000  }
0xd5: {  	s26 =	simm.s32 $0xFFFFFFF8;
	[sflag:s23] =	ssyncset.done $0x0  }
0xd6: {  	s28 =	simm.s32 $0x40;
	s29 =	simm.s32 $0x1A740;
	[sflag:s23] =	ssyncadd.s32 $0xFFFFE000  }
.LBB2_12:
0xd7: {  	v0 =	vld [tilespmem:s28+$0xFFFFFFC0];
	_ =	sdelay $0x7  }
0xd8: {  	v0 =	vld.idx.msk [tilespmem:v0+s22+$0x0], $0xffff;
	_ =	sdelay $0x4  }
0xd9: {  	[tilespmem:s29+$0xFFFFFFC0] =	vst v0  }
0xda: {  	v0 =	vld [tilespmem:s28+$0xFFFFFFD0];
	_ =	sdelay $0x7  }
0xdb: {  	v0 =	vld.idx.msk [tilespmem:v0+s22+$0x0], $0xffff;
	_ =	sdelay $0x4  }
0xdc: {  	[tilespmem:s29+$0xFFFFFFD0] =	vst v0  }
0xdd: {  	v0 =	vld [tilespmem:s28+$0xFFFFFFE0];
	_ =	sdelay $0x7  }
0xde: {  	v0 =	vld.idx.msk [tilespmem:v0+s22+$0x0], $0xffff;
	_ =	sdelay $0x4  }
0xdf: {  	[tilespmem:s29+$0xFFFFFFE0] =	vst v0  }
0xe0: {  	v0 =	vld [tilespmem:s28+$0xFFFFFFF0];
	_ =	sdelay $0x7  }
0xe1: {  	v0 =	vld.idx.msk [tilespmem:v0+s22+$0x0], $0xffff;
	_ =	sdelay $0x4  }
0xe2: {  	[tilespmem:s29+$0xFFFFFFF0] =	vst v0  }
0xe3: {  	v0 =	vld [tilespmem:s28+$0x0];
	_ =	sdelay $0x7  }
0xe4: {  	v0 =	vld.idx.msk [tilespmem:v0+s22+$0x0], $0xffff;
	_ =	sdelay $0x4  }
0xe5: {  	[tilespmem:s29+$0x0] =	vst v0  }
0xe6: {  	v0 =	vld [tilespmem:s28+$0x10];
	_ =	sdelay $0x7  }
0xe7: {  	v0 =	vld.idx.msk [tilespmem:v0+s22+$0x0], $0xffff;
	_ =	sdelay $0x4  }
0xe8: {  	[tilespmem:s29+$0x10] =	vst v0  }
0xe9: {  	v0 =	vld [tilespmem:s28+$0x20];
	_ =	sdelay $0x7  }
0xea: {  	v0 =	vld.idx.msk [tilespmem:v0+s22+$0x0], $0xffff;
	_ =	sdelay $0x4  }
0xeb: {  	[tilespmem:s29+$0x20] =	vst v0  }
0xec: {  	v0 =	vld [tilespmem:s28+$0x30];
	_ =	sdelay $0x6  }
0xed: {  	s26 =	sadd.s32 $0x8, s26  }
0xee: {  	p0 =	slt.u32 s26, $0x1F8;
	v0 =	vld.idx.msk [tilespmem:v0+s22+$0x0], $0xffff  }
.Ltmp5:
0xef: {  	_ = 	snop;
	(pc) =	sbr.rel @p0 .LBB2_12-.Ltmp5, $2  }
0xf0: {  	_ =	sdelay $0x2  }
0xf1: {  	s28 =	sadd.s32 $0x80, s28;
	[tilespmem:s29+$0x30] =	vst v0;
	s29 =	sadd.s32 $0x80, s29  }
0xf2: {  	[hbm4b:s15+s20] =	stream.strided.scatter [tilespmem:s24], [sflag:$0x1], $0x2000, s21, s20, $0x38;
	[tilespmem:$0x1C700] =	vst v63  }
0xf3: {  	_ =	swait.ge [sflag:s23], $0x2000  }
0xf4: {  	[sflag:s23] =	ssyncset.done $0x0  }
0xf5: {  	[sflag:s23] =	ssyncadd.s32 $0xFFFFE000  }
0xf6: {  	[tilespmem:s22], [sflag:$0x1] =	stream.strided.gather [hbm4b:s16+s20], $0x18700, s21, s20, $0x38;
	[tilespmem:$0x1C700] =	vst v63  }
0xf7: {  	_ =	swait.ge [sflag:s23], $0x18700  }
0xf8: {  	[sflag:s23] =	ssyncset.done $0x0  }
0xf9: {  	[sflag:s23] =	ssyncadd.s32 $0xFFFE7900  }
0xfa: {  	[tilespmem:s4], [sflag:$0x1] =	stream.linear.gather [hbm4b:s2+s4], $0x2000, $0x38;
	[tilespmem:$0x1C700] =	vst v63  }
0xfb: {  	_ =	swait.ge [sflag:s23], $0x2000  }
0xfc: {  	s26 =	simm.s32 $0xFFFFFFF8;
	[sflag:s23] =	ssyncset.done $0x0  }
0xfd: {  	s28 =	simm.s32 $0x40;
	s29 =	simm.s32 $0x1A740;
	[sflag:s23] =	ssyncadd.s32 $0xFFFFE000  }
.LBB2_14:
0xfe: {  	v0 =	vld [tilespmem:s28+$0xFFFFFFC0];
	_ =	sdelay $0x7  }
0xff: {  	v0 =	vld.idx.msk [tilespmem:v0+s22+$0x0], $0xffff;
	_ =	sdelay $0x4  }
0x100: {  	[tilespmem:s29+$0xFFFFFFC0] =	vst v0  }
0x101: {  	v0 =	vld [tilespmem:s28+$0xFFFFFFD0];
	_ =	sdelay $0x7  }
0x102: {  	v0 =	vld.idx.msk [tilespmem:v0+s22+$0x0], $0xffff;
	_ =	sdelay $0x4  }
0x103: {  	[tilespmem:s29+$0xFFFFFFD0] =	vst v0  }
0x104: {  	v0 =	vld [tilespmem:s28+$0xFFFFFFE0];
	_ =	sdelay $0x7  }
0x105: {  	v0 =	vld.idx.msk [tilespmem:v0+s22+$0x0], $0xffff;
	_ =	sdelay $0x4  }
0x106: {  	[tilespmem:s29+$0xFFFFFFE0] =	vst v0  }
0x107: {  	v0 =	vld [tilespmem:s28+$0xFFFFFFF0];
	_ =	sdelay $0x7  }
0x108: {  	v0 =	vld.idx.msk [tilespmem:v0+s22+$0x0], $0xffff;
	_ =	sdelay $0x4  }
0x109: {  	[tilespmem:s29+$0xFFFFFFF0] =	vst v0  }
0x10a: {  	v0 =	vld [tilespmem:s28+$0x0];
	_ =	sdelay $0x7  }
0x10b: {  	v0 =	vld.idx.msk [tilespmem:v0+s22+$0x0], $0xffff;
	_ =	sdelay $0x4  }
0x10c: {  	[tilespmem:s29+$0x0] =	vst v0  }
0x10d: {  	v0 =	vld [tilespmem:s28+$0x10];
	_ =	sdelay $0x7  }
0x10e: {  	v0 =	vld.idx.msk [tilespmem:v0+s22+$0x0], $0xffff;
	_ =	sdelay $0x4  }
0x10f: {  	[tilespmem:s29+$0x10] =	vst v0  }
0x110: {  	v0 =	vld [tilespmem:s28+$0x20];
	_ =	sdelay $0x7  }
0x111: {  	v0 =	vld.idx.msk [tilespmem:v0+s22+$0x0], $0xffff;
	_ =	sdelay $0x4  }
0x112: {  	[tilespmem:s29+$0x20] =	vst v0  }
0x113: {  	v0 =	vld [tilespmem:s28+$0x30];
	_ =	sdelay $0x6  }
0x114: {  	s26 =	sadd.s32 $0x8, s26  }
0x115: {  	p0 =	slt.u32 s26, $0x1F8;
	v0 =	vld.idx.msk [tilespmem:v0+s22+$0x0], $0xffff  }
.Ltmp6:
0x116: {  	_ = 	snop;
	(pc) =	sbr.rel @p0 .LBB2_14-.Ltmp6, $2  }
0x117: {  	_ =	sdelay $0x2  }
0x118: {  	s28 =	sadd.s32 $0x80, s28;
	[tilespmem:s29+$0x30] =	vst v0;
	s29 =	sadd.s32 $0x80, s29  }
0x119: {  	[hbm4b:s17+s20] =	stream.strided.scatter [tilespmem:s24], [sflag:$0x1], $0x2000, s21, s20, $0x38;
	[tilespmem:$0x1C700] =	vst v63  }
0x11a: {  	_ =	swait.ge [sflag:s23], $0x2000  }
0x11b: {  	[sflag:s23] =	ssyncset.done $0x0  }
0x11c: {  	[sflag:s23] =	ssyncadd.s32 $0xFFFFE000  }
0x11d: {  	[tilespmem:s4], [sflag:$0x1] =	stream.linear.gather [hbm4b:s14+s4], $0x2000, $0x38;
	[tilespmem:$0x1C700] =	vst v63  }
0x11e: {  	_ =	swait.ge [sflag:s23], $0x2000  }
0x11f: {  	s26 =	simm.s32 $0xFFFFFFF8;
	[sflag:s23] =	ssyncset.done $0x0  }
0x120: {  	s28 =	simm.s32 $0x40;
	s29 =	simm.s32 $0x1A740;
	[sflag:s23] =	ssyncadd.s32 $0xFFFFE000  }
.LBB2_16:
0x121: {  	v0 =	vld [tilespmem:s28+$0xFFFFFFC0];
	_ =	sdelay $0x7  }
0x122: {  	v0 =	vld.idx.msk [tilespmem:v0+s22+$0x0], $0xffff;
	_ =	sdelay $0x4  }
0x123: {  	[tilespmem:s29+$0xFFFFFFC0] =	vst v0  }
0x124: {  	v0 =	vld [tilespmem:s28+$0xFFFFFFD0];
	_ =	sdelay $0x7  }
0x125: {  	v0 =	vld.idx.msk [tilespmem:v0+s22+$0x0], $0xffff;
	_ =	sdelay $0x4  }
0x126: {  	[tilespmem:s29+$0xFFFFFFD0] =	vst v0  }
0x127: {  	v0 =	vld [tilespmem:s28+$0xFFFFFFE0];
	_ =	sdelay $0x7  }
0x128: {  	v0 =	vld.idx.msk [tilespmem:v0+s22+$0x0], $0xffff;
	_ =	sdelay $0x4  }
0x129: {  	[tilespmem:s29+$0xFFFFFFE0] =	vst v0  }
0x12a: {  	v0 =	vld [tilespmem:s28+$0xFFFFFFF0];
	_ =	sdelay $0x7  }
0x12b: {  	v0 =	vld.idx.msk [tilespmem:v0+s22+$0x0], $0xffff;
	_ =	sdelay $0x4  }
0x12c: {  	[tilespmem:s29+$0xFFFFFFF0] =	vst v0  }
0x12d: {  	v0 =	vld [tilespmem:s28+$0x0];
	_ =	sdelay $0x7  }
0x12e: {  	v0 =	vld.idx.msk [tilespmem:v0+s22+$0x0], $0xffff;
	_ =	sdelay $0x4  }
0x12f: {  	[tilespmem:s29+$0x0] =	vst v0  }
0x130: {  	v0 =	vld [tilespmem:s28+$0x10];
	_ =	sdelay $0x7  }
0x131: {  	v0 =	vld.idx.msk [tilespmem:v0+s22+$0x0], $0xffff;
	_ =	sdelay $0x4  }
0x132: {  	[tilespmem:s29+$0x10] =	vst v0  }
0x133: {  	v0 =	vld [tilespmem:s28+$0x20];
	_ =	sdelay $0x7  }
0x134: {  	v0 =	vld.idx.msk [tilespmem:v0+s22+$0x0], $0xffff;
	_ =	sdelay $0x4  }
0x135: {  	[tilespmem:s29+$0x20] =	vst v0  }
0x136: {  	v0 =	vld [tilespmem:s28+$0x30];
	_ =	sdelay $0x6  }
0x137: {  	s26 =	sadd.s32 $0x8, s26  }
0x138: {  	p0 =	slt.u32 s26, $0x1F8;
	v0 =	vld.idx.msk [tilespmem:v0+s22+$0x0], $0xffff  }
.Ltmp7:
0x139: {  	_ = 	snop;
	(pc) =	sbr.rel @p0 .LBB2_16-.Ltmp7, $2  }
0x13a: {  	_ =	sdelay $0x2  }
0x13b: {  	s28 =	sadd.s32 $0x80, s28;
	[tilespmem:s29+$0x30] =	vst v0;
	s29 =	sadd.s32 $0x80, s29  }
0x13c: {  	s25 =	sadd.s32 $0x1, s25  }
0x13d: {  	p0 =	sne.s32 s25, s19  }
.Ltmp8:
0x13e: {  	_ = 	snop;
	(pc) =	sbr.rel @p0 .LBB2_1-.Ltmp8, $4  }
0x13f: {  	[hbm4b:s18+s20] =	stream.strided.scatter [tilespmem:s24], [sflag:$0x1], $0x2000, s21, s20, $0x38;
	[tilespmem:$0x1C700] =	vst v63  }
0x140: {  	_ =	swait.ge [sflag:s23], $0x2000  }
0x141: {  	[sflag:s23] =	ssyncset.done $0x0  }
0x142: {  	[sflag:s23] =	ssyncadd.s32 $0xFFFFE000  }
0x143: {  	_ =	sfence.sel $0x180000  }
0x144: {  	[bflag:$0x0] =	sbarrier.arrive $0xFFFF  }
0x145: {  	p0 =	sne.s32 s3, $0x0;
	_ =	strace $0x90000047  }
0x146: {  	s0 =	sadd.s32 @!p0 $0x100000, s0;
	[bflag:$0x2] =	sbarrier.arrive $0xFFFF  }
0x147: {  	[sflag:s0] =	ssyncadd.tile.s32 @!p0 $0x1;
	_ =	shalt  }
.Lfunc_end2:
_tile_overlayer_lowered:
.L_overlay_start_2:
0x148: {  	(tag) =	ssettag $0x2  }
0x149: {  	s0 =	rddreg [dreg:$0x0];
	s2 =	stileid.u32  }
0x14a: {  	s1 =	rddreg [dreg:$0x1];
	p0 =	sne.s32 s2, $0x0  }
0x14b: {  	s3 =	rddreg [dreg:$0x2];
	[bflag:$0x3] =	sbarrier.arrive $0xFFFF;
	s2 =	simm.s32 @!p0 $0x1C01  }
0x14c: {  	[timem:s3], [sflag:s2] =	dma.local @!p0 [hbm:s0], s1  }
0x14d: {  	s0 =	simm.s32 @!p0 $0x1  }
0x14e: {  	_ =	swait.ge @!p0 [sflag:s0], s1  }
0x14f: {  	s1 =	ssub.s32 @!p0 $0x0, s1;
	[sflag:s0] =	ssyncset.done @!p0 $0x0  }
0x150: {  	[sflag:s0] =	ssyncadd.s32 @!p0 s1  }
0x151: {  	[bflag:$0x3] =	sbarrier.arrive $0xFFFF  }
0x152: {  	_ =	shalt  }

</sc_bundles>
